<compile_context>
chip_gen: v7x
topology: tpu7x:2x2x1
jax: 0.10.2.dev20260603
libtpu: 0.0.44.dev20260713+nightly
codegen_flags: <defaults>
</compile_context>

<pallas_src>
import functools

import jax
import jax.numpy as jnp
from jax import lax
from jax.experimental import pallas as pl
from jax.experimental.pallas import tpu as pltpu
from jax.experimental.pallas import tpu_sc as plsc

N = 10000
E = 320000
D = 128

NC = 2
NS = 16
C = 128

NCHUNK = 2 * (-(-E // (NS * C * 2)))
EPT = NCHUNK * C
EPAD = EPT * NS
NPAD = -(-(N + 1) // (NS * 8)) * NS * 8
RPT = NPAD // NS
K0 = 126


def _sc_aggregate(x, src, dst, zeros_init, ones_rows):
  mesh = plsc.VectorSubcoreMesh(
      core_axis_name="c", subcore_axis_name="s", num_cores=NC, num_subcores=NS)

  @functools.partial(
      pl.kernel,
      out_type=(
          jax.ShapeDtypeStruct((NPAD, D), jnp.float32),
          jax.ShapeDtypeStruct((NPAD, D), jnp.float32),
          jax.ShapeDtypeStruct((NPAD, D), jnp.float32),
      ),
      mesh=mesh,
      scratch_types=(
          pltpu.VMEM((C,), jnp.int32),
          (pltpu.VMEM((C,), jnp.int32),) * 2,
          (pltpu.VMEM((C, D), jnp.float32),) * 2,
          pltpu.VMEM((C, D), jnp.float32),
          pltpu.VMEM_SHARED((NPAD, D), jnp.float32),
          pltpu.SemaphoreType.DMA,
          (pltpu.SemaphoreType.DMA,) * 2,
      ),
  )
  def k(x_hbm, src_hbm, dst_hbm, zeros_hbm, ones_hbm,
        agg0_out, agg1_out, deg_out,
        src_v, dst_v, rows_v, ones_v, acc_sh, sem_g, sem_s):
    c = lax.axis_index("c")
    s = lax.axis_index("s")
    tile_base = s * EPT
    row_base = s * RPT

    def zero_acc():
      pltpu.sync_copy(zeros_hbm.at[pl.ds(row_base, RPT)],
                      acc_sh.at[pl.ds(row_base, RPT)])

    def writeback(out_ref):
      pltpu.sync_copy(acc_sh.at[pl.ds(row_base, RPT)],
                      out_ref.at[pl.ds(row_base, RPT)])

    def scatter_desc(b, src_buf):
      return pltpu.make_async_copy(src_buf, acc_sh.at[dst_v[b]], sem_s[b])

    def message_chunks(lo, hi):
      def pair(i, carry):
        for b in (0, 1):
          j = 2 * i + b
          base = tile_base + j * C

          @pl.when(i > lo // 2)
          def _drain():
            scatter_desc(b, rows_v[b]).wait()

          pltpu.sync_copy(src_hbm.at[pl.ds(base, C)], src_v)
          pltpu.sync_copy(dst_hbm.at[pl.ds(base, C)], dst_v[b])
          pltpu.async_copy(x_hbm.at[src_v], rows_v[b], sem_g).wait()
          pltpu.async_copy(rows_v[b], acc_sh.at[dst_v[b]], sem_s[b],
                           add=True)
        return carry

      lax.fori_loop(lo // 2, hi // 2, pair, 0)
      for b in (0, 1):
        scatter_desc(b, rows_v[b]).wait()

    zero_acc()
    pltpu.sync_copy(ones_hbm, ones_v)
    plsc.subcore_barrier()

    @pl.when(c == 0)
    def _sc0():
      message_chunks(0, K0)
      plsc.subcore_barrier()
      writeback(agg0_out)

    @pl.when(c == 1)
    def _sc1():
      def pair(i, carry):
        for b in (0, 1):
          j = 2 * i + b
          base = tile_base + j * C

          @pl.when(i > 0)
          def _drain():
            scatter_desc(b, ones_v).wait()

          pltpu.sync_copy(dst_hbm.at[pl.ds(base, C)], dst_v[b])
          pltpu.async_copy(ones_v, acc_sh.at[dst_v[b]], sem_s[b], add=True)
        return carry

      lax.fori_loop(0, NCHUNK // 2, pair, 0)
      for b in (0, 1):
        scatter_desc(b, ones_v).wait()
      plsc.subcore_barrier()
      writeback(deg_out)
      plsc.subcore_barrier()
      zero_acc()
      plsc.subcore_barrier()
      message_chunks(K0, NCHUNK)
      plsc.subcore_barrier()
      writeback(agg1_out)

  return k(x, src, dst, zeros_init, ones_rows)


def _tc_body(agg0_ref, agg1_ref, deg_ref, x_ref, w_ref, b_ref, o_ref):
  d = deg_ref[...]
  d = jnp.where(d == 0.0, 1.0, d)
  a = (agg0_ref[...] + agg1_ref[...]) / d
  dn = (((1,), (1,)), ((), ()))
  o_ref[...] = (
      lax.dot_general(a, w_ref[...], dn, preferred_element_type=jnp.float32)
      + lax.dot_general(x_ref[...], b_ref[...], dn,
                        preferred_element_type=jnp.float32))


def _tc_update(agg0, agg1, deg, x, W, B):
  blk = 1000
  grid = N // blk
  return pl.pallas_call(
      _tc_body,
      grid=(grid,),
      in_specs=[
          pl.BlockSpec((blk, D), lambda i: (i, 0)),
          pl.BlockSpec((blk, D), lambda i: (i, 0)),
          pl.BlockSpec((blk, D), lambda i: (i, 0)),
          pl.BlockSpec((blk, D), lambda i: (i, 0)),
          pl.BlockSpec((D, D), lambda i: (0, 0)),
          pl.BlockSpec((D, D), lambda i: (0, 0)),
      ],
      out_specs=pl.BlockSpec((blk, D), lambda i: (i, 0)),
      out_shape=jax.ShapeDtypeStruct((N, D), jnp.float32),
  )(agg0, agg1, deg, x, W, B)


def kernel(x, edge_index, W, B):
  src = edge_index[0].astype(jnp.int32)
  dst = edge_index[1].astype(jnp.int32)
  pad = EPAD - E
  src_p = jnp.concatenate([src, jnp.zeros((pad,), jnp.int32)])
  dst_p = jnp.concatenate([dst, jnp.full((pad,), N, jnp.int32)])
  zeros_init = jnp.zeros((NPAD, D), jnp.float32)
  ones_rows = jnp.ones((C, D), jnp.float32)
  agg0, agg1, deg = _sc_aggregate(x, src_p, dst_p, zeros_init, ones_rows)
  return _tc_update(agg0, agg1, deg, x, W, B)

# --- scband reference (transcript-rebuilt; emitter-appended) ---
"""Pipeline reference for scband-message-graph-convolution-76914274337236 (READ-ONLY COPY).

The authoritative reference and input builder live on the scoring server;
editing this copy changes nothing except your own understanding.
"""

import jax, jax.numpy as jnp
import numpy as np

N_NODES = 10000
N_EDGES = 320000
D_IN = 128
D_OUT = 128


def setup_inputs(seed: int = 0) -> dict:
    key = jax.random.key(seed)
    kx, ke, kw = jax.random.split(key, 3)
    x = jax.random.normal(kx, (N_NODES, D_IN), dtype=jnp.float32)
    edge_index = jax.random.randint(ke, (2, N_EDGES), 0, N_NODES, dtype=jnp.int64)
    # xavier uniform for W: bound = sqrt(6/(fan_in+fan_out))
    bound = float(np.sqrt(6.0 / (D_IN + D_OUT)))
    W = jax.random.uniform(kw, (D_OUT, D_IN), dtype=jnp.float32, minval=-bound, maxval=bound)
    B = jnp.zeros((D_OUT, D_IN), dtype=jnp.float32)
    return {"x": x, "edge_index": edge_index, "W": W, "B": B}


def reference(x, edge_index, W, B):
    src = edge_index[0]
    dst = edge_index[1]
    num_nodes = x.shape[0]
    # message: gather source node features
    messages = jnp.take(x, src, axis=0)
    # aggregate: scatter-add into destination nodes
    aggregated = jax.ops.segment_sum(messages, dst, num_segments=num_nodes)
    # mean normalization by in-degree (zeros replaced by 1)
    deg = jnp.bincount(dst, length=num_nodes).astype(jnp.float32)
    deg = jnp.where(deg == 0.0, 1.0, deg)
    aggregated = aggregated / deg[:, None]
    # update: linear transform of messages + residual linear transform of x
    out = aggregated @ W.T + x @ B.T
    return out

if __name__ == "__main__":
    import jax
    _d = setup_inputs()
    print(jax.jit(kernel)(*tuple(_d.values())))

</pallas_src>

<mosaic_0001>
#map = affine_map<(d0, d1) -> (0, 0)>
#map1 = affine_map<(d0, d1) -> (0)>
module attributes {stable_mosaic.version = 14 : i64} {
  func.func @k(%arg0: i32, %arg1: i32, %arg2: memref<10000x128xf32, #tpu.memory_space<hbm>>, %arg3: memref<323584xi32, #tpu.memory_space<hbm>>, %arg4: memref<323584xi32, #tpu.memory_space<hbm>>, %arg5: memref<10112x128xf32, #tpu.memory_space<hbm>>, %arg6: memref<128x128xf32, #tpu.memory_space<hbm>>, %arg7: memref<10112x128xf32, #tpu.memory_space<hbm>>, %arg8: memref<10112x128xf32, #tpu.memory_space<hbm>>, %arg9: memref<10112x128xf32, #tpu.memory_space<hbm>>, %arg10: memref<128xi32, #tpu.memory_space<vmem>>, %arg11: memref<128xi32, #tpu.memory_space<vmem>>, %arg12: memref<128xi32, #tpu.memory_space<vmem>>, %arg13: memref<128x128xf32, #tpu.memory_space<vmem>>, %arg14: memref<128x128xf32, #tpu.memory_space<vmem>>, %arg15: memref<128x128xf32, #tpu.memory_space<vmem>>, %arg16: memref<10112x128xf32, #tpu.memory_space<vmem_shared>>, %arg17: memref<!tpu.dma_semaphore, #tpu.memory_space<semaphore_mem>>, %arg18: memref<!tpu.dma_semaphore, #tpu.memory_space<semaphore_mem>>, %arg19: memref<!tpu.dma_semaphore, #tpu.memory_space<semaphore_mem>>) attributes {dimension_semantics = [#tpu.dimension_semantics<core_parallel>, #tpu.dimension_semantics<subcore_parallel>], iteration_bounds = array<i64: 2, 16>, scalar_prefetch = 0 : i64, scratch_operands = 10 : i64, tpu.core_type = #tpu.core_type<sc_vector_subcore>, window_params = [{transform_indices = #map}, {transform_indices = #map1}, {transform_indices = #map1}, {transform_indices = #map}, {transform_indices = #map}, {transform_indices = #map}, {transform_indices = #map}, {transform_indices = #map}]} {
    %mul3A = arith.constant 20224 : i32
    %mul3A_0 = arith.muli %arg1, %mul3A : i32
    %mul3A_1 = arith.constant 632 : i32
    %mul3A_2 = arith.muli %arg1, %mul3A_1 : i32
    "tpu.region"() ({
      %run_scoped3A = tpu.sem_alloc : memref<!tpu.dma_semaphore, #tpu.memory_space<semaphore_mem>>
      %dma_start3A = arith.constant 0 : i32
      %dma_start3A_10 = tpu.memref_slice %arg16[%mul3A_2, %dma_start3A] : memref<10112x128xf32, #tpu.memory_space<vmem_shared>> -> memref<632x128xf32, #tpu.memory_space<vmem_shared>>
      %dma_start3A_11 = arith.constant 0 : i32
      %dma_start3A_12 = tpu.memref_slice %arg5[%mul3A_2, %dma_start3A_11] : memref<10112x128xf32, #tpu.memory_space<hbm>> -> memref<632x128xf32, #tpu.memory_space<hbm>>
      tpu.enqueue_dma source(%dma_start3A_12 : memref<632x128xf32, #tpu.memory_space<hbm>>) target(%dma_start3A_10 : memref<632x128xf32, #tpu.memory_space<vmem_shared>>) target_semaphore(%run_scoped3A : memref<!tpu.dma_semaphore, #tpu.memory_space<semaphore_mem>>)
      %dma_wait3A = arith.constant 0 : i32
      %dma_wait3A_13 = tpu.memref_slice %arg16[%mul3A_2, %dma_wait3A] : memref<10112x128xf32, #tpu.memory_space<vmem_shared>> -> memref<632x128xf32, #tpu.memory_space<vmem_shared>>
      %dma_wait3A_14 = arith.constant 0 : i32
      %dma_wait3A_15 = tpu.memref_slice %arg5[%mul3A_2, %dma_wait3A_14] : memref<10112x128xf32, #tpu.memory_space<hbm>> -> memref<632x128xf32, #tpu.memory_space<hbm>>
      tpu.wait_dma2 semaphore(%run_scoped3A : memref<!tpu.dma_semaphore, #tpu.memory_space<semaphore_mem>>) src(%dma_wait3A_15 : memref<632x128xf32, #tpu.memory_space<hbm>>) dst(%dma_wait3A_13 : memref<632x128xf32, #tpu.memory_space<vmem_shared>>)
      tpu.yield
    }) : () -> ()
    "tpu.region"() ({
      %run_scoped3A = tpu.sem_alloc : memref<!tpu.dma_semaphore, #tpu.memory_space<semaphore_mem>>
      tpu.enqueue_dma source(%arg6 : memref<128x128xf32, #tpu.memory_space<hbm>>) target(%arg15 : memref<128x128xf32, #tpu.memory_space<vmem>>) target_semaphore(%run_scoped3A : memref<!tpu.dma_semaphore, #tpu.memory_space<semaphore_mem>>)
      tpu.wait_dma2 semaphore(%run_scoped3A : memref<!tpu.dma_semaphore, #tpu.memory_space<semaphore_mem>>) src(%arg6 : memref<128x128xf32, #tpu.memory_space<hbm>>) dst(%arg15 : memref<128x128xf32, #tpu.memory_space<vmem>>)
      tpu.yield
    }) : () -> ()
    %barrier3A = arith.constant 0 : index
    tpu.barrier barrier_id(%barrier3A)
    %eq3A = arith.constant 0 : i32
    %eq3A_3 = arith.cmpi eq, %arg0, %eq3A : i32
    %convert_element_type3A = arith.extui %eq3A_3 : i1 to i32
    %cond3A = arith.constant 0 : i32
    %cond3A_4 = arith.cmpi ne, %convert_element_type3A, %cond3A : i32
    scf.if %cond3A_4 {
      %scan3A = arith.constant 0 : i32
      %scan3A_10 = arith.constant 0 : i32
      %scan3A_11 = arith.constant 63 : i32
      %scan3A_12 = arith.addi %scan3A_10, %scan3A_11 : i32
      %scan3A_13 = arith.constant 1 : i32
      scf.for %scan3A_21 = %scan3A_10 to %scan3A_12 step %scan3A_13  : i32 {
        %mul3A_22 = arith.constant 2 : i32
        %mul3A_23 = arith.muli %mul3A_22, %scan3A_21 : i32
        %add3A = arith.constant 0 : i32
        %add3A_24 = arith.addi %mul3A_23, %add3A : i32
        %mul3A_25 = arith.constant 128 : i32
        %mul3A_26 = arith.muli %add3A_24, %mul3A_25 : i32
        %add3A_27 = arith.addi %mul3A_0, %mul3A_26 : i32
        %gt3A = arith.constant 0 : i32
        %gt3A_28 = arith.cmpi sgt, %scan3A_21, %gt3A : i32
        %convert_element_type3A_29 = arith.extui %gt3A_28 : i1 to i32
        %cond3A_30 = arith.constant 0 : i32
        %cond3A_31 = arith.cmpi ne, %convert_element_type3A_29, %cond3A_30 : i32
        scf.if %cond3A_31 {
          %dma_wait3A_61 = arith.constant 0 : i32
          %dma_wait3A_62 = arith.constant 0 : i32
          %dma_wait3A_63 = tpu.memref_slice %arg16[%dma_wait3A_61, %dma_wait3A_62] : memref<10112x128xf32, #tpu.memory_space<vmem_shared>> -> memref<10112x128xf32, #tpu.memory_space<vmem_shared>>
          tpu.wait_indirect_dma semaphore(%arg18 : memref<!tpu.dma_semaphore, #tpu.memory_space<semaphore_mem>>) src(%arg13 : memref<128x128xf32, #tpu.memory_space<vmem>>) dst(%dma_wait3A_63 : memref<10112x128xf32, #tpu.memory_space<vmem_shared>>)
        } else {
        }
        "tpu.region"() ({
          %run_scoped3A = tpu.sem_alloc : memref<!tpu.dma_semaphore, #tpu.memory_space<semaphore_mem>>
          %dma_start3A_61 = tpu.memref_slice %arg3[%add3A_27] : memref<323584xi32, #tpu.memory_space<hbm>> -> memref<128xi32, #tpu.memory_space<hbm>>
          %dma_start3A_62 = tpu.memref_slice %arg3[%add3A_27] : memref<323584xi32, #tpu.memory_space<hbm>> -> memref<128xi32, #tpu.memory_space<hbm>>
          tpu.enqueue_dma source(%dma_start3A_62 : memref<128xi32, #tpu.memory_space<hbm>>) target(%arg10 : memref<128xi32, #tpu.memory_space<vmem>>) target_semaphore(%run_scoped3A : memref<!tpu.dma_semaphore, #tpu.memory_space<semaphore_mem>>)
          %dma_wait3A_63 = tpu.memref_slice %arg3[%add3A_27] : memref<323584xi32, #tpu.memory_space<hbm>> -> memref<128xi32, #tpu.memory_space<hbm>>
          %dma_wait3A_64 = tpu.memref_slice %arg3[%add3A_27] : memref<323584xi32, #tpu.memory_space<hbm>> -> memref<128xi32, #tpu.memory_space<hbm>>
          tpu.wait_dma2 semaphore(%run_scoped3A : memref<!tpu.dma_semaphore, #tpu.memory_space<semaphore_mem>>) src(%dma_wait3A_64 : memref<128xi32, #tpu.memory_space<hbm>>) dst(%arg10 : memref<128xi32, #tpu.memory_space<vmem>>)
          tpu.yield
        }) : () -> ()
        "tpu.region"() ({
          %run_scoped3A = tpu.sem_alloc : memref<!tpu.dma_semaphore, #tpu.memory_space<semaphore_mem>>
          %dma_start3A_61 = tpu.memref_slice %arg4[%add3A_27] : memref<323584xi32, #tpu.memory_space<hbm>> -> memref<128xi32, #tpu.memory_space<hbm>>
          %dma_start3A_62 = tpu.memref_slice %arg4[%add3A_27] : memref<323584xi32, #tpu.memory_space<hbm>> -> memref<128xi32, #tpu.memory_space<hbm>>
          tpu.enqueue_dma source(%dma_start3A_62 : memref<128xi32, #tpu.memory_space<hbm>>) target(%arg11 : memref<128xi32, #tpu.memory_space<vmem>>) target_semaphore(%run_scoped3A : memref<!tpu.dma_semaphore, #tpu.memory_space<semaphore_mem>>)
          %dma_wait3A_63 = tpu.memref_slice %arg4[%add3A_27] : memref<323584xi32, #tpu.memory_space<hbm>> -> memref<128xi32, #tpu.memory_space<hbm>>
          %dma_wait3A_64 = tpu.memref_slice %arg4[%add3A_27] : memref<323584xi32, #tpu.memory_space<hbm>> -> memref<128xi32, #tpu.memory_space<hbm>>
          tpu.wait_dma2 semaphore(%run_scoped3A : memref<!tpu.dma_semaphore, #tpu.memory_space<semaphore_mem>>) src(%dma_wait3A_64 : memref<128xi32, #tpu.memory_space<hbm>>) dst(%arg11 : memref<128xi32, #tpu.memory_space<vmem>>)
          tpu.yield
        }) : () -> ()
        %dma_start3A = arith.constant 0 : i32
        %dma_start3A_32 = arith.constant 0 : i32
        %dma_start3A_33 = tpu.memref_slice %arg2[%dma_start3A, %dma_start3A_32] : memref<10000x128xf32, #tpu.memory_space<hbm>> -> memref<10000x128xf32, #tpu.memory_space<hbm>>
        tpu.enqueue_indirect_dma source(%dma_start3A_33 : memref<10000x128xf32, #tpu.memory_space<hbm>>) target(%arg13 : memref<128x128xf32, #tpu.memory_space<vmem>>) offsets(%arg10 : memref<128xi32, #tpu.memory_space<vmem>>) semaphore(%arg17 : memref<!tpu.dma_semaphore, #tpu.memory_space<semaphore_mem>>)
        %dma_wait3A_34 = arith.constant 0 : i32
        %dma_wait3A_35 = arith.constant 0 : i32
        %dma_wait3A_36 = tpu.memref_slice %arg2[%dma_wait3A_34, %dma_wait3A_35] : memref<10000x128xf32, #tpu.memory_space<hbm>> -> memref<10000x128xf32, #tpu.memory_space<hbm>>
        tpu.wait_indirect_dma semaphore(%arg17 : memref<!tpu.dma_semaphore, #tpu.memory_space<semaphore_mem>>) src(%dma_wait3A_36 : memref<10000x128xf32, #tpu.memory_space<hbm>>) dst(%arg13 : memref<128x128xf32, #tpu.memory_space<vmem>>)
        %dma_start3A_37 = arith.constant 0 : i32
        %dma_start3A_38 = arith.constant 0 : i32
        %dma_start3A_39 = tpu.memref_slice %arg16[%dma_start3A_37, %dma_start3A_38] : memref<10112x128xf32, #tpu.memory_space<vmem_shared>> -> memref<10112x128xf32, #tpu.memory_space<vmem_shared>>
        tpu.enqueue_indirect_dma source(%arg13 : memref<128x128xf32, #tpu.memory_space<vmem>>) target(%dma_start3A_39 : memref<10112x128xf32, #tpu.memory_space<vmem_shared>>) offsets(%arg11 : memref<128xi32, #tpu.memory_space<vmem>>) semaphore(%arg18 : memref<!tpu.dma_semaphore, #tpu.memory_space<semaphore_mem>>) {add = true}
        %mul3A_40 = arith.constant 2 : i32
        %mul3A_41 = arith.muli %mul3A_40, %scan3A_21 : i32
        %add3A_42 = arith.constant 1 : i32
        %add3A_43 = arith.addi %mul3A_41, %add3A_42 : i32
        %mul3A_44 = arith.constant 128 : i32
        %mul3A_45 = arith.muli %add3A_43, %mul3A_44 : i32
        %add3A_46 = arith.addi %mul3A_0, %mul3A_45 : i32
        %gt3A_47 = arith.constant 0 : i32
        %gt3A_48 = arith.cmpi sgt, %scan3A_21, %gt3A_47 : i32
        %convert_element_type3A_49 = arith.extui %gt3A_48 : i1 to i32
        %cond3A_50 = arith.constant 0 : i32
        %cond3A_51 = arith.cmpi ne, %convert_element_type3A_49, %cond3A_50 : i32
        scf.if %cond3A_51 {
          %dma_wait3A_61 = arith.constant 0 : i32
          %dma_wait3A_62 = arith.constant 0 : i32
          %dma_wait3A_63 = tpu.memref_slice %arg16[%dma_wait3A_61, %dma_wait3A_62] : memref<10112x128xf32, #tpu.memory_space<vmem_shared>> -> memref<10112x128xf32, #tpu.memory_space<vmem_shared>>
          tpu.wait_indirect_dma semaphore(%arg19 : memref<!tpu.dma_semaphore, #tpu.memory_space<semaphore_mem>>) src(%arg14 : memref<128x128xf32, #tpu.memory_space<vmem>>) dst(%dma_wait3A_63 : memref<10112x128xf32, #tpu.memory_space<vmem_shared>>)
        } else {
        }
        "tpu.region"() ({
          %run_scoped3A = tpu.sem_alloc : memref<!tpu.dma_semaphore, #tpu.memory_space<semaphore_mem>>
          %dma_start3A_61 = tpu.memref_slice %arg3[%add3A_46] : memref<323584xi32, #tpu.memory_space<hbm>> -> memref<128xi32, #tpu.memory_space<hbm>>
          %dma_start3A_62 = tpu.memref_slice %arg3[%add3A_46] : memref<323584xi32, #tpu.memory_space<hbm>> -> memref<128xi32, #tpu.memory_space<hbm>>
          tpu.enqueue_dma source(%dma_start3A_62 : memref<128xi32, #tpu.memory_space<hbm>>) target(%arg10 : memref<128xi32, #tpu.memory_space<vmem>>) target_semaphore(%run_scoped3A : memref<!tpu.dma_semaphore, #tpu.memory_space<semaphore_mem>>)
          %dma_wait3A_63 = tpu.memref_slice %arg3[%add3A_46] : memref<323584xi32, #tpu.memory_space<hbm>> -> memref<128xi32, #tpu.memory_space<hbm>>
          %dma_wait3A_64 = tpu.memref_slice %arg3[%add3A_46] : memref<323584xi32, #tpu.memory_space<hbm>> -> memref<128xi32, #tpu.memory_space<hbm>>
          tpu.wait_dma2 semaphore(%run_scoped3A : memref<!tpu.dma_semaphore, #tpu.memory_space<semaphore_mem>>) src(%dma_wait3A_64 : memref<128xi32, #tpu.memory_space<hbm>>) dst(%arg10 : memref<128xi32, #tpu.memory_space<vmem>>)
          tpu.yield
        }) : () -> ()
        "tpu.region"() ({
          %run_scoped3A = tpu.sem_alloc : memref<!tpu.dma_semaphore, #tpu.memory_space<semaphore_mem>>
          %dma_start3A_61 = tpu.memref_slice %arg4[%add3A_46] : memref<323584xi32, #tpu.memory_space<hbm>> -> memref<128xi32, #tpu.memory_space<hbm>>
          %dma_start3A_62 = tpu.memref_slice %arg4[%add3A_46] : memref<323584xi32, #tpu.memory_space<hbm>> -> memref<128xi32, #tpu.memory_space<hbm>>
          tpu.enqueue_dma source(%dma_start3A_62 : memref<128xi32, #tpu.memory_space<hbm>>) target(%arg12 : memref<128xi32, #tpu.memory_space<vmem>>) target_semaphore(%run_scoped3A : memref<!tpu.dma_semaphore, #tpu.memory_space<semaphore_mem>>)
          %dma_wait3A_63 = tpu.memref_slice %arg4[%add3A_46] : memref<323584xi32, #tpu.memory_space<hbm>> -> memref<128xi32, #tpu.memory_space<hbm>>
          %dma_wait3A_64 = tpu.memref_slice %arg4[%add3A_46] : memref<323584xi32, #tpu.memory_space<hbm>> -> memref<128xi32, #tpu.memory_space<hbm>>
          tpu.wait_dma2 semaphore(%run_scoped3A : memref<!tpu.dma_semaphore, #tpu.memory_space<semaphore_mem>>) src(%dma_wait3A_64 : memref<128xi32, #tpu.memory_space<hbm>>) dst(%arg12 : memref<128xi32, #tpu.memory_space<vmem>>)
          tpu.yield
        }) : () -> ()
        %dma_start3A_52 = arith.constant 0 : i32
        %dma_start3A_53 = arith.constant 0 : i32
        %dma_start3A_54 = tpu.memref_slice %arg2[%dma_start3A_52, %dma_start3A_53] : memref<10000x128xf32, #tpu.memory_space<hbm>> -> memref<10000x128xf32, #tpu.memory_space<hbm>>
        tpu.enqueue_indirect_dma source(%dma_start3A_54 : memref<10000x128xf32, #tpu.memory_space<hbm>>) target(%arg14 : memref<128x128xf32, #tpu.memory_space<vmem>>) offsets(%arg10 : memref<128xi32, #tpu.memory_space<vmem>>) semaphore(%arg17 : memref<!tpu.dma_semaphore, #tpu.memory_space<semaphore_mem>>)
        %dma_wait3A_55 = arith.constant 0 : i32
        %dma_wait3A_56 = arith.constant 0 : i32
        %dma_wait3A_57 = tpu.memref_slice %arg2[%dma_wait3A_55, %dma_wait3A_56] : memref<10000x128xf32, #tpu.memory_space<hbm>> -> memref<10000x128xf32, #tpu.memory_space<hbm>>
        tpu.wait_indirect_dma semaphore(%arg17 : memref<!tpu.dma_semaphore, #tpu.memory_space<semaphore_mem>>) src(%dma_wait3A_57 : memref<10000x128xf32, #tpu.memory_space<hbm>>) dst(%arg14 : memref<128x128xf32, #tpu.memory_space<vmem>>)
        %dma_start3A_58 = arith.constant 0 : i32
        %dma_start3A_59 = arith.constant 0 : i32
        %dma_start3A_60 = tpu.memref_slice %arg16[%dma_start3A_58, %dma_start3A_59] : memref<10112x128xf32, #tpu.memory_space<vmem_shared>> -> memref<10112x128xf32, #tpu.memory_space<vmem_shared>>
        tpu.enqueue_indirect_dma source(%arg14 : memref<128x128xf32, #tpu.memory_space<vmem>>) target(%dma_start3A_60 : memref<10112x128xf32, #tpu.memory_space<vmem_shared>>) offsets(%arg12 : memref<128xi32, #tpu.memory_space<vmem>>) semaphore(%arg19 : memref<!tpu.dma_semaphore, #tpu.memory_space<semaphore_mem>>) {add = true}
      }
      %scan3A_14 = arith.constant 63 : i32
      %dma_wait3A = arith.constant 0 : i32
      %dma_wait3A_15 = arith.constant 0 : i32
      %dma_wait3A_16 = tpu.memref_slice %arg16[%dma_wait3A, %dma_wait3A_15] : memref<10112x128xf32, #tpu.memory_space<vmem_shared>> -> memref<10112x128xf32, #tpu.memory_space<vmem_shared>>
      tpu.wait_indirect_dma semaphore(%arg18 : memref<!tpu.dma_semaphore, #tpu.memory_space<semaphore_mem>>) src(%arg13 : memref<128x128xf32, #tpu.memory_space<vmem>>) dst(%dma_wait3A_16 : memref<10112x128xf32, #tpu.memory_space<vmem_shared>>)
      %dma_wait3A_17 = arith.constant 0 : i32
      %dma_wait3A_18 = arith.constant 0 : i32
      %dma_wait3A_19 = tpu.memref_slice %arg16[%dma_wait3A_17, %dma_wait3A_18] : memref<10112x128xf32, #tpu.memory_space<vmem_shared>> -> memref<10112x128xf32, #tpu.memory_space<vmem_shared>>
      tpu.wait_indirect_dma semaphore(%arg19 : memref<!tpu.dma_semaphore, #tpu.memory_space<semaphore_mem>>) src(%arg14 : memref<128x128xf32, #tpu.memory_space<vmem>>) dst(%dma_wait3A_19 : memref<10112x128xf32, #tpu.memory_space<vmem_shared>>)
      %barrier3A_20 = arith.constant 0 : index
      tpu.barrier barrier_id(%barrier3A_20)
      "tpu.region"() ({
        %run_scoped3A = tpu.sem_alloc : memref<!tpu.dma_semaphore, #tpu.memory_space<semaphore_mem>>
        %dma_start3A = arith.constant 0 : i32
        %dma_start3A_21 = tpu.memref_slice %arg7[%mul3A_2, %dma_start3A] : memref<10112x128xf32, #tpu.memory_space<hbm>> -> memref<632x128xf32, #tpu.memory_space<hbm>>
        %dma_start3A_22 = arith.constant 0 : i32
        %dma_start3A_23 = tpu.memref_slice %arg16[%mul3A_2, %dma_start3A_22] : memref<10112x128xf32, #tpu.memory_space<vmem_shared>> -> memref<632x128xf32, #tpu.memory_space<vmem_shared>>
        tpu.enqueue_dma source(%dma_start3A_23 : memref<632x128xf32, #tpu.memory_space<vmem_shared>>) target(%dma_start3A_21 : memref<632x128xf32, #tpu.memory_space<hbm>>) target_semaphore(%run_scoped3A : memref<!tpu.dma_semaphore, #tpu.memory_space<semaphore_mem>>)
        %dma_wait3A_24 = arith.constant 0 : i32
        %dma_wait3A_25 = tpu.memref_slice %arg7[%mul3A_2, %dma_wait3A_24] : memref<10112x128xf32, #tpu.memory_space<hbm>> -> memref<632x128xf32, #tpu.memory_space<hbm>>
        %dma_wait3A_26 = arith.constant 0 : i32
        %dma_wait3A_27 = tpu.memref_slice %arg16[%mul3A_2, %dma_wait3A_26] : memref<10112x128xf32, #tpu.memory_space<vmem_shared>> -> memref<632x128xf32, #tpu.memory_space<vmem_shared>>
        tpu.wait_dma2 semaphore(%run_scoped3A : memref<!tpu.dma_semaphore, #tpu.memory_space<semaphore_mem>>) src(%dma_wait3A_27 : memref<632x128xf32, #tpu.memory_space<vmem_shared>>) dst(%dma_wait3A_25 : memref<632x128xf32, #tpu.memory_space<hbm>>)
        tpu.yield
      }) : () -> ()
    } else {
    }
    %eq3A_5 = arith.constant 1 : i32
    %eq3A_6 = arith.cmpi eq, %arg0, %eq3A_5 : i32
    %convert_element_type3A_7 = arith.extui %eq3A_6 : i1 to i32
    %cond3A_8 = arith.constant 0 : i32
    %cond3A_9 = arith.cmpi ne, %convert_element_type3A_7, %cond3A_8 : i32
    scf.if %cond3A_9 {
      %scan3A = arith.constant 0 : i32
      %scan3A_10 = arith.constant 0 : i32
      %scan3A_11 = arith.constant 79 : i32
      %scan3A_12 = arith.addi %scan3A_10, %scan3A_11 : i32
      %scan3A_13 = arith.constant 1 : i32
      scf.for %scan3A_36 = %scan3A_10 to %scan3A_12 step %scan3A_13  : i32 {
        %mul3A_37 = arith.constant 2 : i32
        %mul3A_38 = arith.muli %mul3A_37, %scan3A_36 : i32
        %add3A = arith.constant 0 : i32
        %add3A_39 = arith.addi %mul3A_38, %add3A : i32
        %mul3A_40 = arith.constant 128 : i32
        %mul3A_41 = arith.muli %add3A_39, %mul3A_40 : i32
        %add3A_42 = arith.addi %mul3A_0, %mul3A_41 : i32
        %gt3A = arith.constant 0 : i32
        %gt3A_43 = arith.cmpi sgt, %scan3A_36, %gt3A : i32
        %convert_element_type3A_44 = arith.extui %gt3A_43 : i1 to i32
        %cond3A_45 = arith.constant 0 : i32
        %cond3A_46 = arith.cmpi ne, %convert_element_type3A_44, %cond3A_45 : i32
        scf.if %cond3A_46 {
          %dma_wait3A_64 = arith.constant 0 : i32
          %dma_wait3A_65 = arith.constant 0 : i32
          %dma_wait3A_66 = tpu.memref_slice %arg16[%dma_wait3A_64, %dma_wait3A_65] : memref<10112x128xf32, #tpu.memory_space<vmem_shared>> -> memref<10112x128xf32, #tpu.memory_space<vmem_shared>>
          tpu.wait_indirect_dma semaphore(%arg18 : memref<!tpu.dma_semaphore, #tpu.memory_space<semaphore_mem>>) src(%arg15 : memref<128x128xf32, #tpu.memory_space<vmem>>) dst(%dma_wait3A_66 : memref<10112x128xf32, #tpu.memory_space<vmem_shared>>)
        } else {
        }
        "tpu.region"() ({
          %run_scoped3A = tpu.sem_alloc : memref<!tpu.dma_semaphore, #tpu.memory_space<semaphore_mem>>
          %dma_start3A_64 = tpu.memref_slice %arg4[%add3A_42] : memref<323584xi32, #tpu.memory_space<hbm>> -> memref<128xi32, #tpu.memory_space<hbm>>
          %dma_start3A_65 = tpu.memref_slice %arg4[%add3A_42] : memref<323584xi32, #tpu.memory_space<hbm>> -> memref<128xi32, #tpu.memory_space<hbm>>
          tpu.enqueue_dma source(%dma_start3A_65 : memref<128xi32, #tpu.memory_space<hbm>>) target(%arg11 : memref<128xi32, #tpu.memory_space<vmem>>) target_semaphore(%run_scoped3A : memref<!tpu.dma_semaphore, #tpu.memory_space<semaphore_mem>>)
          %dma_wait3A_66 = tpu.memref_slice %arg4[%add3A_42] : memref<323584xi32, #tpu.memory_space<hbm>> -> memref<128xi32, #tpu.memory_space<hbm>>
          %dma_wait3A_67 = tpu.memref_slice %arg4[%add3A_42] : memref<323584xi32, #tpu.memory_space<hbm>> -> memref<128xi32, #tpu.memory_space<hbm>>
          tpu.wait_dma2 semaphore(%run_scoped3A : memref<!tpu.dma_semaphore, #tpu.memory_space<semaphore_mem>>) src(%dma_wait3A_67 : memref<128xi32, #tpu.memory_space<hbm>>) dst(%arg11 : memref<128xi32, #tpu.memory_space<vmem>>)
          tpu.yield
        }) : () -> ()
        %dma_start3A = arith.constant 0 : i32
        %dma_start3A_47 = arith.constant 0 : i32
        %dma_start3A_48 = tpu.memref_slice %arg16[%dma_start3A, %dma_start3A_47] : memref<10112x128xf32, #tpu.memory_space<vmem_shared>> -> memref<10112x128xf32, #tpu.memory_space<vmem_shared>>
        tpu.enqueue_indirect_dma source(%arg15 : memref<128x128xf32, #tpu.memory_space<vmem>>) target(%dma_start3A_48 : memref<10112x128xf32, #tpu.memory_space<vmem_shared>>) offsets(%arg11 : memref<128xi32, #tpu.memory_space<vmem>>) semaphore(%arg18 : memref<!tpu.dma_semaphore, #tpu.memory_space<semaphore_mem>>) {add = true}
        %mul3A_49 = arith.constant 2 : i32
        %mul3A_50 = arith.muli %mul3A_49, %scan3A_36 : i32
        %add3A_51 = arith.constant 1 : i32
        %add3A_52 = arith.addi %mul3A_50, %add3A_51 : i32
        %mul3A_53 = arith.constant 128 : i32
        %mul3A_54 = arith.muli %add3A_52, %mul3A_53 : i32
        %add3A_55 = arith.addi %mul3A_0, %mul3A_54 : i32
        %gt3A_56 = arith.constant 0 : i32
        %gt3A_57 = arith.cmpi sgt, %scan3A_36, %gt3A_56 : i32
        %convert_element_type3A_58 = arith.extui %gt3A_57 : i1 to i32
        %cond3A_59 = arith.constant 0 : i32
        %cond3A_60 = arith.cmpi ne, %convert_element_type3A_58, %cond3A_59 : i32
        scf.if %cond3A_60 {
          %dma_wait3A_64 = arith.constant 0 : i32
          %dma_wait3A_65 = arith.constant 0 : i32
          %dma_wait3A_66 = tpu.memref_slice %arg16[%dma_wait3A_64, %dma_wait3A_65] : memref<10112x128xf32, #tpu.memory_space<vmem_shared>> -> memref<10112x128xf32, #tpu.memory_space<vmem_shared>>
          tpu.wait_indirect_dma semaphore(%arg19 : memref<!tpu.dma_semaphore, #tpu.memory_space<semaphore_mem>>) src(%arg15 : memref<128x128xf32, #tpu.memory_space<vmem>>) dst(%dma_wait3A_66 : memref<10112x128xf32, #tpu.memory_space<vmem_shared>>)
        } else {
        }
        "tpu.region"() ({
          %run_scoped3A = tpu.sem_alloc : memref<!tpu.dma_semaphore, #tpu.memory_space<semaphore_mem>>
          %dma_start3A_64 = tpu.memref_slice %arg4[%add3A_55] : memref<323584xi32, #tpu.memory_space<hbm>> -> memref<128xi32, #tpu.memory_space<hbm>>
          %dma_start3A_65 = tpu.memref_slice %arg4[%add3A_55] : memref<323584xi32, #tpu.memory_space<hbm>> -> memref<128xi32, #tpu.memory_space<hbm>>
          tpu.enqueue_dma source(%dma_start3A_65 : memref<128xi32, #tpu.memory_space<hbm>>) target(%arg12 : memref<128xi32, #tpu.memory_space<vmem>>) target_semaphore(%run_scoped3A : memref<!tpu.dma_semaphore, #tpu.memory_space<semaphore_mem>>)
          %dma_wait3A_66 = tpu.memref_slice %arg4[%add3A_55] : memref<323584xi32, #tpu.memory_space<hbm>> -> memref<128xi32, #tpu.memory_space<hbm>>
          %dma_wait3A_67 = tpu.memref_slice %arg4[%add3A_55] : memref<323584xi32, #tpu.memory_space<hbm>> -> memref<128xi32, #tpu.memory_space<hbm>>
          tpu.wait_dma2 semaphore(%run_scoped3A : memref<!tpu.dma_semaphore, #tpu.memory_space<semaphore_mem>>) src(%dma_wait3A_67 : memref<128xi32, #tpu.memory_space<hbm>>) dst(%arg12 : memref<128xi32, #tpu.memory_space<vmem>>)
          tpu.yield
        }) : () -> ()
        %dma_start3A_61 = arith.constant 0 : i32
        %dma_start3A_62 = arith.constant 0 : i32
        %dma_start3A_63 = tpu.memref_slice %arg16[%dma_start3A_61, %dma_start3A_62] : memref<10112x128xf32, #tpu.memory_space<vmem_shared>> -> memref<10112x128xf32, #tpu.memory_space<vmem_shared>>
        tpu.enqueue_indirect_dma source(%arg15 : memref<128x128xf32, #tpu.memory_space<vmem>>) target(%dma_start3A_63 : memref<10112x128xf32, #tpu.memory_space<vmem_shared>>) offsets(%arg12 : memref<128xi32, #tpu.memory_space<vmem>>) semaphore(%arg19 : memref<!tpu.dma_semaphore, #tpu.memory_space<semaphore_mem>>) {add = true}
      }
      %scan3A_14 = arith.constant 79 : i32
      %dma_wait3A = arith.constant 0 : i32
      %dma_wait3A_15 = arith.constant 0 : i32
      %dma_wait3A_16 = tpu.memref_slice %arg16[%dma_wait3A, %dma_wait3A_15] : memref<10112x128xf32, #tpu.memory_space<vmem_shared>> -> memref<10112x128xf32, #tpu.memory_space<vmem_shared>>
      tpu.wait_indirect_dma semaphore(%arg18 : memref<!tpu.dma_semaphore, #tpu.memory_space<semaphore_mem>>) src(%arg15 : memref<128x128xf32, #tpu.memory_space<vmem>>) dst(%dma_wait3A_16 : memref<10112x128xf32, #tpu.memory_space<vmem_shared>>)
      %dma_wait3A_17 = arith.constant 0 : i32
      %dma_wait3A_18 = arith.constant 0 : i32
      %dma_wait3A_19 = tpu.memref_slice %arg16[%dma_wait3A_17, %dma_wait3A_18] : memref<10112x128xf32, #tpu.memory_space<vmem_shared>> -> memref<10112x128xf32, #tpu.memory_space<vmem_shared>>
      tpu.wait_indirect_dma semaphore(%arg19 : memref<!tpu.dma_semaphore, #tpu.memory_space<semaphore_mem>>) src(%arg15 : memref<128x128xf32, #tpu.memory_space<vmem>>) dst(%dma_wait3A_19 : memref<10112x128xf32, #tpu.memory_space<vmem_shared>>)
      %barrier3A_20 = arith.constant 0 : index
      tpu.barrier barrier_id(%barrier3A_20)
      "tpu.region"() ({
        %run_scoped3A = tpu.sem_alloc : memref<!tpu.dma_semaphore, #tpu.memory_space<semaphore_mem>>
        %dma_start3A = arith.constant 0 : i32
        %dma_start3A_36 = tpu.memref_slice %arg9[%mul3A_2, %dma_start3A] : memref<10112x128xf32, #tpu.memory_space<hbm>> -> memref<632x128xf32, #tpu.memory_space<hbm>>
        %dma_start3A_37 = arith.constant 0 : i32
        %dma_start3A_38 = tpu.memref_slice %arg16[%mul3A_2, %dma_start3A_37] : memref<10112x128xf32, #tpu.memory_space<vmem_shared>> -> memref<632x128xf32, #tpu.memory_space<vmem_shared>>
        tpu.enqueue_dma source(%dma_start3A_38 : memref<632x128xf32, #tpu.memory_space<vmem_shared>>) target(%dma_start3A_36 : memref<632x128xf32, #tpu.memory_space<hbm>>) target_semaphore(%run_scoped3A : memref<!tpu.dma_semaphore, #tpu.memory_space<semaphore_mem>>)
        %dma_wait3A_39 = arith.constant 0 : i32
        %dma_wait3A_40 = tpu.memref_slice %arg9[%mul3A_2, %dma_wait3A_39] : memref<10112x128xf32, #tpu.memory_space<hbm>> -> memref<632x128xf32, #tpu.memory_space<hbm>>
        %dma_wait3A_41 = arith.constant 0 : i32
        %dma_wait3A_42 = tpu.memref_slice %arg16[%mul3A_2, %dma_wait3A_41] : memref<10112x128xf32, #tpu.memory_space<vmem_shared>> -> memref<632x128xf32, #tpu.memory_space<vmem_shared>>
        tpu.wait_dma2 semaphore(%run_scoped3A : memref<!tpu.dma_semaphore, #tpu.memory_space<semaphore_mem>>) src(%dma_wait3A_42 : memref<632x128xf32, #tpu.memory_space<vmem_shared>>) dst(%dma_wait3A_40 : memref<632x128xf32, #tpu.memory_space<hbm>>)
        tpu.yield
      }) : () -> ()
      %barrier3A_21 = arith.constant 0 : index
      tpu.barrier barrier_id(%barrier3A_21)
      "tpu.region"() ({
        %run_scoped3A = tpu.sem_alloc : memref<!tpu.dma_semaphore, #tpu.memory_space<semaphore_mem>>
        %dma_start3A = arith.constant 0 : i32
        %dma_start3A_36 = tpu.memref_slice %arg16[%mul3A_2, %dma_start3A] : memref<10112x128xf32, #tpu.memory_space<vmem_shared>> -> memref<632x128xf32, #tpu.memory_space<vmem_shared>>
        %dma_start3A_37 = arith.constant 0 : i32
        %dma_start3A_38 = tpu.memref_slice %arg5[%mul3A_2, %dma_start3A_37] : memref<10112x128xf32, #tpu.memory_space<hbm>> -> memref<632x128xf32, #tpu.memory_space<hbm>>
        tpu.enqueue_dma source(%dma_start3A_38 : memref<632x128xf32, #tpu.memory_space<hbm>>) target(%dma_start3A_36 : memref<632x128xf32, #tpu.memory_space<vmem_shared>>) target_semaphore(%run_scoped3A : memref<!tpu.dma_semaphore, #tpu.memory_space<semaphore_mem>>)
        %dma_wait3A_39 = arith.constant 0 : i32
        %dma_wait3A_40 = tpu.memref_slice %arg16[%mul3A_2, %dma_wait3A_39] : memref<10112x128xf32, #tpu.memory_space<vmem_shared>> -> memref<632x128xf32, #tpu.memory_space<vmem_shared>>
        %dma_wait3A_41 = arith.constant 0 : i32
        %dma_wait3A_42 = tpu.memref_slice %arg5[%mul3A_2, %dma_wait3A_41] : memref<10112x128xf32, #tpu.memory_space<hbm>> -> memref<632x128xf32, #tpu.memory_space<hbm>>
        tpu.wait_dma2 semaphore(%run_scoped3A : memref<!tpu.dma_semaphore, #tpu.memory_space<semaphore_mem>>) src(%dma_wait3A_42 : memref<632x128xf32, #tpu.memory_space<hbm>>) dst(%dma_wait3A_40 : memref<632x128xf32, #tpu.memory_space<vmem_shared>>)
        tpu.yield
      }) : () -> ()
      %barrier3A_22 = arith.constant 0 : index
      tpu.barrier barrier_id(%barrier3A_22)
      %scan3A_23 = arith.constant 0 : i32
      %scan3A_24 = arith.constant 63 : i32
      %scan3A_25 = arith.constant 16 : i32
      %scan3A_26 = arith.addi %scan3A_24, %scan3A_25 : i32
      %scan3A_27 = arith.constant 1 : i32
      scf.for %scan3A_36 = %scan3A_24 to %scan3A_26 step %scan3A_27  : i32 {
        %mul3A_37 = arith.constant 2 : i32
        %mul3A_38 = arith.muli %mul3A_37, %scan3A_36 : i32
        %add3A = arith.constant 0 : i32
        %add3A_39 = arith.addi %mul3A_38, %add3A : i32
        %mul3A_40 = arith.constant 128 : i32
        %mul3A_41 = arith.muli %add3A_39, %mul3A_40 : i32
        %add3A_42 = arith.addi %mul3A_0, %mul3A_41 : i32
        %gt3A = arith.constant 63 : i32
        %gt3A_43 = arith.cmpi sgt, %scan3A_36, %gt3A : i32
        %convert_element_type3A_44 = arith.extui %gt3A_43 : i1 to i32
        %cond3A_45 = arith.constant 0 : i32
        %cond3A_46 = arith.cmpi ne, %convert_element_type3A_44, %cond3A_45 : i32
        scf.if %cond3A_46 {
          %dma_wait3A_76 = arith.constant 0 : i32
          %dma_wait3A_77 = arith.constant 0 : i32
          %dma_wait3A_78 = tpu.memref_slice %arg16[%dma_wait3A_76, %dma_wait3A_77] : memref<10112x128xf32, #tpu.memory_space<vmem_shared>> -> memref<10112x128xf32, #tpu.memory_space<vmem_shared>>
          tpu.wait_indirect_dma semaphore(%arg18 : memref<!tpu.dma_semaphore, #tpu.memory_space<semaphore_mem>>) src(%arg13 : memref<128x128xf32, #tpu.memory_space<vmem>>) dst(%dma_wait3A_78 : memref<10112x128xf32, #tpu.memory_space<vmem_shared>>)
        } else {
        }
        "tpu.region"() ({
          %run_scoped3A = tpu.sem_alloc : memref<!tpu.dma_semaphore, #tpu.memory_space<semaphore_mem>>
          %dma_start3A_76 = tpu.memref_slice %arg3[%add3A_42] : memref<323584xi32, #tpu.memory_space<hbm>> -> memref<128xi32, #tpu.memory_space<hbm>>
          %dma_start3A_77 = tpu.memref_slice %arg3[%add3A_42] : memref<323584xi32, #tpu.memory_space<hbm>> -> memref<128xi32, #tpu.memory_space<hbm>>
          tpu.enqueue_dma source(%dma_start3A_77 : memref<128xi32, #tpu.memory_space<hbm>>) target(%arg10 : memref<128xi32, #tpu.memory_space<vmem>>) target_semaphore(%run_scoped3A : memref<!tpu.dma_semaphore, #tpu.memory_space<semaphore_mem>>)
          %dma_wait3A_78 = tpu.memref_slice %arg3[%add3A_42] : memref<323584xi32, #tpu.memory_space<hbm>> -> memref<128xi32, #tpu.memory_space<hbm>>
          %dma_wait3A_79 = tpu.memref_slice %arg3[%add3A_42] : memref<323584xi32, #tpu.memory_space<hbm>> -> memref<128xi32, #tpu.memory_space<hbm>>
          tpu.wait_dma2 semaphore(%run_scoped3A : memref<!tpu.dma_semaphore, #tpu.memory_space<semaphore_mem>>) src(%dma_wait3A_79 : memref<128xi32, #tpu.memory_space<hbm>>) dst(%arg10 : memref<128xi32, #tpu.memory_space<vmem>>)
          tpu.yield
        }) : () -> ()
        "tpu.region"() ({
          %run_scoped3A = tpu.sem_alloc : memref<!tpu.dma_semaphore, #tpu.memory_space<semaphore_mem>>
          %dma_start3A_76 = tpu.memref_slice %arg4[%add3A_42] : memref<323584xi32, #tpu.memory_space<hbm>> -> memref<128xi32, #tpu.memory_space<hbm>>
          %dma_start3A_77 = tpu.memref_slice %arg4[%add3A_42] : memref<323584xi32, #tpu.memory_space<hbm>> -> memref<128xi32, #tpu.memory_space<hbm>>
          tpu.enqueue_dma source(%dma_start3A_77 : memref<128xi32, #tpu.memory_space<hbm>>) target(%arg11 : memref<128xi32, #tpu.memory_space<vmem>>) target_semaphore(%run_scoped3A : memref<!tpu.dma_semaphore, #tpu.memory_space<semaphore_mem>>)
          %dma_wait3A_78 = tpu.memref_slice %arg4[%add3A_42] : memref<323584xi32, #tpu.memory_space<hbm>> -> memref<128xi32, #tpu.memory_space<hbm>>
          %dma_wait3A_79 = tpu.memref_slice %arg4[%add3A_42] : memref<323584xi32, #tpu.memory_space<hbm>> -> memref<128xi32, #tpu.memory_space<hbm>>
          tpu.wait_dma2 semaphore(%run_scoped3A : memref<!tpu.dma_semaphore, #tpu.memory_space<semaphore_mem>>) src(%dma_wait3A_79 : memref<128xi32, #tpu.memory_space<hbm>>) dst(%arg11 : memref<128xi32, #tpu.memory_space<vmem>>)
          tpu.yield
        }) : () -> ()
        %dma_start3A = arith.constant 0 : i32
        %dma_start3A_47 = arith.constant 0 : i32
        %dma_start3A_48 = tpu.memref_slice %arg2[%dma_start3A, %dma_start3A_47] : memref<10000x128xf32, #tpu.memory_space<hbm>> -> memref<10000x128xf32, #tpu.memory_space<hbm>>
        tpu.enqueue_indirect_dma source(%dma_start3A_48 : memref<10000x128xf32, #tpu.memory_space<hbm>>) target(%arg13 : memref<128x128xf32, #tpu.memory_space<vmem>>) offsets(%arg10 : memref<128xi32, #tpu.memory_space<vmem>>) semaphore(%arg17 : memref<!tpu.dma_semaphore, #tpu.memory_space<semaphore_mem>>)
        %dma_wait3A_49 = arith.constant 0 : i32
        %dma_wait3A_50 = arith.constant 0 : i32
        %dma_wait3A_51 = tpu.memref_slice %arg2[%dma_wait3A_49, %dma_wait3A_50] : memref<10000x128xf32, #tpu.memory_space<hbm>> -> memref<10000x128xf32, #tpu.memory_space<hbm>>
        tpu.wait_indirect_dma semaphore(%arg17 : memref<!tpu.dma_semaphore, #tpu.memory_space<semaphore_mem>>) src(%dma_wait3A_51 : memref<10000x128xf32, #tpu.memory_space<hbm>>) dst(%arg13 : memref<128x128xf32, #tpu.memory_space<vmem>>)
        %dma_start3A_52 = arith.constant 0 : i32
        %dma_start3A_53 = arith.constant 0 : i32
        %dma_start3A_54 = tpu.memref_slice %arg16[%dma_start3A_52, %dma_start3A_53] : memref<10112x128xf32, #tpu.memory_space<vmem_shared>> -> memref<10112x128xf32, #tpu.memory_space<vmem_shared>>
        tpu.enqueue_indirect_dma source(%arg13 : memref<128x128xf32, #tpu.memory_space<vmem>>) target(%dma_start3A_54 : memref<10112x128xf32, #tpu.memory_space<vmem_shared>>) offsets(%arg11 : memref<128xi32, #tpu.memory_space<vmem>>) semaphore(%arg18 : memref<!tpu.dma_semaphore, #tpu.memory_space<semaphore_mem>>) {add = true}
        %mul3A_55 = arith.constant 2 : i32
        %mul3A_56 = arith.muli %mul3A_55, %scan3A_36 : i32
        %add3A_57 = arith.constant 1 : i32
        %add3A_58 = arith.addi %mul3A_56, %add3A_57 : i32
        %mul3A_59 = arith.constant 128 : i32
        %mul3A_60 = arith.muli %add3A_58, %mul3A_59 : i32
        %add3A_61 = arith.addi %mul3A_0, %mul3A_60 : i32
        %gt3A_62 = arith.constant 63 : i32
        %gt3A_63 = arith.cmpi sgt, %scan3A_36, %gt3A_62 : i32
        %convert_element_type3A_64 = arith.extui %gt3A_63 : i1 to i32
        %cond3A_65 = arith.constant 0 : i32
        %cond3A_66 = arith.cmpi ne, %convert_element_type3A_64, %cond3A_65 : i32
        scf.if %cond3A_66 {
          %dma_wait3A_76 = arith.constant 0 : i32
          %dma_wait3A_77 = arith.constant 0 : i32
          %dma_wait3A_78 = tpu.memref_slice %arg16[%dma_wait3A_76, %dma_wait3A_77] : memref<10112x128xf32, #tpu.memory_space<vmem_shared>> -> memref<10112x128xf32, #tpu.memory_space<vmem_shared>>
          tpu.wait_indirect_dma semaphore(%arg19 : memref<!tpu.dma_semaphore, #tpu.memory_space<semaphore_mem>>) src(%arg14 : memref<128x128xf32, #tpu.memory_space<vmem>>) dst(%dma_wait3A_78 : memref<10112x128xf32, #tpu.memory_space<vmem_shared>>)
        } else {
        }
        "tpu.region"() ({
          %run_scoped3A = tpu.sem_alloc : memref<!tpu.dma_semaphore, #tpu.memory_space<semaphore_mem>>
          %dma_start3A_76 = tpu.memref_slice %arg3[%add3A_61] : memref<323584xi32, #tpu.memory_space<hbm>> -> memref<128xi32, #tpu.memory_space<hbm>>
          %dma_start3A_77 = tpu.memref_slice %arg3[%add3A_61] : memref<323584xi32, #tpu.memory_space<hbm>> -> memref<128xi32, #tpu.memory_space<hbm>>
          tpu.enqueue_dma source(%dma_start3A_77 : memref<128xi32, #tpu.memory_space<hbm>>) target(%arg10 : memref<128xi32, #tpu.memory_space<vmem>>) target_semaphore(%run_scoped3A : memref<!tpu.dma_semaphore, #tpu.memory_space<semaphore_mem>>)
          %dma_wait3A_78 = tpu.memref_slice %arg3[%add3A_61] : memref<323584xi32, #tpu.memory_space<hbm>> -> memref<128xi32, #tpu.memory_space<hbm>>
          %dma_wait3A_79 = tpu.memref_slice %arg3[%add3A_61] : memref<323584xi32, #tpu.memory_space<hbm>> -> memref<128xi32, #tpu.memory_space<hbm>>
          tpu.wait_dma2 semaphore(%run_scoped3A : memref<!tpu.dma_semaphore, #tpu.memory_space<semaphore_mem>>) src(%dma_wait3A_79 : memref<128xi32, #tpu.memory_space<hbm>>) dst(%arg10 : memref<128xi32, #tpu.memory_space<vmem>>)
          tpu.yield
        }) : () -> ()
        "tpu.region"() ({
          %run_scoped3A = tpu.sem_alloc : memref<!tpu.dma_semaphore, #tpu.memory_space<semaphore_mem>>
          %dma_start3A_76 = tpu.memref_slice %arg4[%add3A_61] : memref<323584xi32, #tpu.memory_space<hbm>> -> memref<128xi32, #tpu.memory_space<hbm>>
          %dma_start3A_77 = tpu.memref_slice %arg4[%add3A_61] : memref<323584xi32, #tpu.memory_space<hbm>> -> memref<128xi32, #tpu.memory_space<hbm>>
          tpu.enqueue_dma source(%dma_start3A_77 : memref<128xi32, #tpu.memory_space<hbm>>) target(%arg12 : memref<128xi32, #tpu.memory_space<vmem>>) target_semaphore(%run_scoped3A : memref<!tpu.dma_semaphore, #tpu.memory_space<semaphore_mem>>)
          %dma_wait3A_78 = tpu.memref_slice %arg4[%add3A_61] : memref<323584xi32, #tpu.memory_space<hbm>> -> memref<128xi32, #tpu.memory_space<hbm>>
          %dma_wait3A_79 = tpu.memref_slice %arg4[%add3A_61] : memref<323584xi32, #tpu.memory_space<hbm>> -> memref<128xi32, #tpu.memory_space<hbm>>
          tpu.wait_dma2 semaphore(%run_scoped3A : memref<!tpu.dma_semaphore, #tpu.memory_space<semaphore_mem>>) src(%dma_wait3A_79 : memref<128xi32, #tpu.memory_space<hbm>>) dst(%arg12 : memref<128xi32, #tpu.memory_space<vmem>>)
          tpu.yield
        }) : () -> ()
        %dma_start3A_67 = arith.constant 0 : i32
        %dma_start3A_68 = arith.constant 0 : i32
        %dma_start3A_69 = tpu.memref_slice %arg2[%dma_start3A_67, %dma_start3A_68] : memref<10000x128xf32, #tpu.memory_space<hbm>> -> memref<10000x128xf32, #tpu.memory_space<hbm>>
        tpu.enqueue_indirect_dma source(%dma_start3A_69 : memref<10000x128xf32, #tpu.memory_space<hbm>>) target(%arg14 : memref<128x128xf32, #tpu.memory_space<vmem>>) offsets(%arg10 : memref<128xi32, #tpu.memory_space<vmem>>) semaphore(%arg17 : memref<!tpu.dma_semaphore, #tpu.memory_space<semaphore_mem>>)
        %dma_wait3A_70 = arith.constant 0 : i32
        %dma_wait3A_71 = arith.constant 0 : i32
        %dma_wait3A_72 = tpu.memref_slice %arg2[%dma_wait3A_70, %dma_wait3A_71] : memref<10000x128xf32, #tpu.memory_space<hbm>> -> memref<10000x128xf32, #tpu.memory_space<hbm>>
        tpu.wait_indirect_dma semaphore(%arg17 : memref<!tpu.dma_semaphore, #tpu.memory_space<semaphore_mem>>) src(%dma_wait3A_72 : memref<10000x128xf32, #tpu.memory_space<hbm>>) dst(%arg14 : memref<128x128xf32, #tpu.memory_space<vmem>>)
        %dma_start3A_73 = arith.constant 0 : i32
        %dma_start3A_74 = arith.constant 0 : i32
        %dma_start3A_75 = tpu.memref_slice %arg16[%dma_start3A_73, %dma_start3A_74] : memref<10112x128xf32, #tpu.memory_space<vmem_shared>> -> memref<10112x128xf32, #tpu.memory_space<vmem_shared>>
        tpu.enqueue_indirect_dma source(%arg14 : memref<128x128xf32, #tpu.memory_space<vmem>>) target(%dma_start3A_75 : memref<10112x128xf32, #tpu.memory_space<vmem_shared>>) offsets(%arg12 : memref<128xi32, #tpu.memory_space<vmem>>) semaphore(%arg19 : memref<!tpu.dma_semaphore, #tpu.memory_space<semaphore_mem>>) {add = true}
      }
      %scan3A_28 = arith.constant 16 : i32
      %dma_wait3A_29 = arith.constant 0 : i32
      %dma_wait3A_30 = arith.constant 0 : i32
      %dma_wait3A_31 = tpu.memref_slice %arg16[%dma_wait3A_29, %dma_wait3A_30] : memref<10112x128xf32, #tpu.memory_space<vmem_shared>> -> memref<10112x128xf32, #tpu.memory_space<vmem_shared>>
      tpu.wait_indirect_dma semaphore(%arg18 : memref<!tpu.dma_semaphore, #tpu.memory_space<semaphore_mem>>) src(%arg13 : memref<128x128xf32, #tpu.memory_space<vmem>>) dst(%dma_wait3A_31 : memref<10112x128xf32, #tpu.memory_space<vmem_shared>>)
      %dma_wait3A_32 = arith.constant 0 : i32
      %dma_wait3A_33 = arith.constant 0 : i32
      %dma_wait3A_34 = tpu.memref_slice %arg16[%dma_wait3A_32, %dma_wait3A_33] : memref<10112x128xf32, #tpu.memory_space<vmem_shared>> -> memref<10112x128xf32, #tpu.memory_space<vmem_shared>>
      tpu.wait_indirect_dma semaphore(%arg19 : memref<!tpu.dma_semaphore, #tpu.memory_space<semaphore_mem>>) src(%arg14 : memref<128x128xf32, #tpu.memory_space<vmem>>) dst(%dma_wait3A_34 : memref<10112x128xf32, #tpu.memory_space<vmem_shared>>)
      %barrier3A_35 = arith.constant 0 : index
      tpu.barrier barrier_id(%barrier3A_35)
      "tpu.region"() ({
        %run_scoped3A = tpu.sem_alloc : memref<!tpu.dma_semaphore, #tpu.memory_space<semaphore_mem>>
        %dma_start3A = arith.constant 0 : i32
        %dma_start3A_36 = tpu.memref_slice %arg8[%mul3A_2, %dma_start3A] : memref<10112x128xf32, #tpu.memory_space<hbm>> -> memref<632x128xf32, #tpu.memory_space<hbm>>
        %dma_start3A_37 = arith.constant 0 : i32
        %dma_start3A_38 = tpu.memref_slice %arg16[%mul3A_2, %dma_start3A_37] : memref<10112x128xf32, #tpu.memory_space<vmem_shared>> -> memref<632x128xf32, #tpu.memory_space<vmem_shared>>
        tpu.enqueue_dma source(%dma_start3A_38 : memref<632x128xf32, #tpu.memory_space<vmem_shared>>) target(%dma_start3A_36 : memref<632x128xf32, #tpu.memory_space<hbm>>) target_semaphore(%run_scoped3A : memref<!tpu.dma_semaphore, #tpu.memory_space<semaphore_mem>>)
        %dma_wait3A_39 = arith.constant 0 : i32
        %dma_wait3A_40 = tpu.memref_slice %arg8[%mul3A_2, %dma_wait3A_39] : memref<10112x128xf32, #tpu.memory_space<hbm>> -> memref<632x128xf32, #tpu.memory_space<hbm>>
        %dma_wait3A_41 = arith.constant 0 : i32
        %dma_wait3A_42 = tpu.memref_slice %arg16[%mul3A_2, %dma_wait3A_41] : memref<10112x128xf32, #tpu.memory_space<vmem_shared>> -> memref<632x128xf32, #tpu.memory_space<vmem_shared>>
        tpu.wait_dma2 semaphore(%run_scoped3A : memref<!tpu.dma_semaphore, #tpu.memory_space<semaphore_mem>>) src(%dma_wait3A_42 : memref<632x128xf32, #tpu.memory_space<vmem_shared>>) dst(%dma_wait3A_40 : memref<632x128xf32, #tpu.memory_space<hbm>>)
        tpu.yield
      }) : () -> ()
    } else {
    }
    return
  }
}

module attributes {stable_mosaic.version = 14 : i64} {
  func.func @_tc_body(%arg0: i32, %arg1: memref<1000x128xf32, #tpu.memory_space<vmem>>, %arg2: memref<1000x128xf32, #tpu.memory_space<vmem>>, %arg3: memref<1000x128xf32, #tpu.memory_space<vmem>>, %arg4: memref<1000x128xf32, #tpu.memory_space<vmem>>, %arg5: memref<128x128xf32, #tpu.memory_space<vmem>>, %arg6: memref<128x128xf32, #tpu.memory_space<vmem>>, %arg7: memref<1000x128xf32, #tpu.memory_space<vmem>>) attributes {dimension_semantics = [#tpu.dimension_semantics<arbitrary>], iteration_bounds = array<i64: 10>, scalar_prefetch = 0 : i64, scratch_operands = 0 : i64, tpu.core_type = #tpu.core_type<tc>, window_params = [{transform_indices = @transform_0, window_bounds = array<i64: 1000, 128>}, {transform_indices = @transform_1, window_bounds = array<i64: 1000, 128>}, {transform_indices = @transform_2, window_bounds = array<i64: 1000, 128>}, {transform_indices = @transform_3, window_bounds = array<i64: 1000, 128>}, {pipeline_mode = #tpu.pipeline_mode<synchronous>, transform_indices = @transform_4, window_bounds = array<i64: 128, 128>}, {pipeline_mode = #tpu.pipeline_mode<synchronous>, transform_indices = @transform_5, window_bounds = array<i64: 128, 128>}, {transform_indices = @transform_6, window_bounds = array<i64: 1000, 128>}]} {
    %get3A = arith.constant 0 : index
    %get3A_0 = arith.constant 0 : index
    %get3A_1 = vector.load %arg3[%get3A, %get3A_0] : memref<1000x128xf32, #tpu.memory_space<vmem>>, vector<1000x128xf32>
    %eq3A = arith.constant 0.000000e+00 : f32
    %eq3A_2 = vector.broadcast %eq3A : f32 to vector<1000x128xf32>
    %eq3A_3 = arith.cmpf oeq, %get3A_1, %eq3A_2 : vector<1000x128xf32>
    %jit3A = arith.constant 1.000000e+00 : f32
    %broadcast_in_dim3A = vector.broadcast %jit3A : f32 to vector<1000x128xf32>
    %select_n3A = arith.select %eq3A_3, %broadcast_in_dim3A, %get3A_1 : vector<1000x128xi1>, vector<1000x128xf32>
    %get3A_4 = arith.constant 0 : index
    %get3A_5 = arith.constant 0 : index
    %get3A_6 = vector.load %arg1[%get3A_4, %get3A_5] : memref<1000x128xf32, #tpu.memory_space<vmem>>, vector<1000x128xf32>
    %get3A_7 = arith.constant 0 : index
    %get3A_8 = arith.constant 0 : index
    %get3A_9 = vector.load %arg2[%get3A_7, %get3A_8] : memref<1000x128xf32, #tpu.memory_space<vmem>>, vector<1000x128xf32>
    %add3A = arith.addf %get3A_6, %get3A_9 : vector<1000x128xf32>
    %div3A = arith.divf %add3A, %select_n3A : vector<1000x128xf32>
    %get3A_10 = arith.constant 0 : index
    %get3A_11 = arith.constant 0 : index
    %get3A_12 = vector.load %arg5[%get3A_10, %get3A_11] : memref<128x128xf32, #tpu.memory_space<vmem>>, vector<128x128xf32>
    %dot_general3A = arith.constant dense<0.000000e+00> : vector<1000x128xf32>
    %dot_general3A_13 = tpu.matmul %div3A, %get3A_12, %dot_general3A {dimension_numbers = #tpu.dot_dimension_numbers<[1], [1], [0], [0], [0, 0, 1, 0], [], []>, transpose_lhs_hint = false} : vector<1000x128xf32>, vector<128x128xf32>, vector<1000x128xf32> -> vector<1000x128xf32>
    %get3A_14 = arith.constant 0 : index
    %get3A_15 = arith.constant 0 : index
    %get3A_16 = vector.load %arg4[%get3A_14, %get3A_15] : memref<1000x128xf32, #tpu.memory_space<vmem>>, vector<1000x128xf32>
    %get3A_17 = arith.constant 0 : index
    %get3A_18 = arith.constant 0 : index
    %get3A_19 = vector.load %arg6[%get3A_17, %get3A_18] : memref<128x128xf32, #tpu.memory_space<vmem>>, vector<128x128xf32>
    %dot_general3A_20 = arith.constant dense<0.000000e+00> : vector<1000x128xf32>
    %dot_general3A_21 = tpu.matmul %get3A_16, %get3A_19, %dot_general3A_20 {dimension_numbers = #tpu.dot_dimension_numbers<[1], [1], [0], [0], [0, 0, 1, 0], [], []>, transpose_lhs_hint = false} : vector<1000x128xf32>, vector<128x128xf32>, vector<1000x128xf32> -> vector<1000x128xf32>
    %add3A_22 = arith.addf %dot_general3A_13, %dot_general3A_21 : vector<1000x128xf32>
    %swap3A = arith.constant 0 : index
    %swap3A_23 = arith.constant 0 : index
    %swap3A_24 = vector.load %arg7[%swap3A, %swap3A_23] : memref<1000x128xf32, #tpu.memory_space<vmem>>, vector<1000x128xf32>
    tpu.vector_store %arg7[%swap3A, %swap3A_23], %add3A_22 {strides = array<i32>} : memref<1000x128xf32, #tpu.memory_space<vmem>>, vector<1000x128xf32>,
    return
  }
  func.func @transform_0(%arg0: i32) -> (i32, i32) {
    %c0_i32 = arith.constant 0 : i32
    %c0_i32_0 = arith.constant 0 : i32
    return %arg0, %c0_i32 : i32, i32
  }
  func.func @transform_1(%arg0: i32) -> (i32, i32) {
    %c0_i32 = arith.constant 0 : i32
    %c0_i32_0 = arith.constant 0 : i32
    return %arg0, %c0_i32 : i32, i32
  }
  func.func @transform_2(%arg0: i32) -> (i32, i32) {
    %c0_i32 = arith.constant 0 : i32
    %c0_i32_0 = arith.constant 0 : i32
    return %arg0, %c0_i32 : i32, i32
  }
  func.func @transform_3(%arg0: i32) -> (i32, i32) {
    %c0_i32 = arith.constant 0 : i32
    %c0_i32_0 = arith.constant 0 : i32
    return %arg0, %c0_i32 : i32, i32
  }
  func.func @transform_4(%arg0: i32) -> (i32, i32) {
    %c0_i32 = arith.constant 0 : i32
    %c0_i32_0 = arith.constant 0 : i32
    %c0_i32_1 = arith.constant 0 : i32
    return %c0_i32, %c0_i32_0 : i32, i32
  }
  func.func @transform_5(%arg0: i32) -> (i32, i32) {
    %c0_i32 = arith.constant 0 : i32
    %c0_i32_0 = arith.constant 0 : i32
    %c0_i32_1 = arith.constant 0 : i32
    return %c0_i32, %c0_i32_0 : i32, i32
  }
  func.func @transform_6(%arg0: i32) -> (i32, i32) {
    %c0_i32 = arith.constant 0 : i32
    %c0_i32_0 = arith.constant 0 : i32
    return %arg0, %c0_i32 : i32, i32
  }
}

</mosaic_0001>

<sc_bundles>
// kernel: kernel.4.cloned.1.call-start
scs
__scs_entry_jumppad:
0x0: {  	(pc) =	sbr.rel $0x88, $3  }
0x1: {  	(tag) =	ssettag $0x0;
	lr =	simm.s32 $0x1  }
0x2: {  	[smem:$0x3F9D] =	sst lr;
	_ =	strace $0xD0000000  }
0x3: {  	_ = 	snop  }
0x4: {  	_ = 	snop  }
0x5: {  	_ = 	snop  }
0x6: {  	_ = 	snop  }
0x7: {  	_ = 	snop  }
__scs_overlays_trampoline_lowered:
0x8: {  	[smem:$0x3FAC] =	sst s0  }
0x9: {  	[smem:$0x3FAD] =	sst s1  }
0xa: {  	[smem:$0x3FAE] =	sst s2  }
0xb: {  	[smem:$0x3FAF] =	sst s3  }
0xc: {  	[smem:$0x3FB0] =	sst s4  }
0xd: {  	[smem:$0x3FB1] =	sst s5  }
0xe: {  	[smem:$0x3FB2] =	sst s6  }
0xf: {  	[smem:$0x3FB3] =	sst s7  }
0x10: {  	[smem:$0x3FB4] =	sst s8  }
0x11: {  	[smem:$0x3FB5] =	sst s9;
	s0 =	simm.s32 @!p0 $0x0  }
0x12: {  	s1 =	sld [smem:$0x3F9B];
	s0 =	simm.s32 @p0 $0x1  }
0x13: {  	[smem:$0x3FB6] =	sst s0;
	s0 =	simm.s32 @!p1 $0x0  }
0x14: {  	s2 =	sld [smem:$0x3F9A];
	s0 =	simm.s32 @p1 $0x1  }
0x15: {  	[smem:$0x3FB7] =	sst s0;
	s0 =	simm.s32 @!p2 $0x0  }
0x16: {  	s3 =	sld [smem:$0x3FDB];
	s0 =	simm.s32 @p2 $0x1  }
0x17: {  	s4 =	simm.s32 $0x1BF5;
	[smem:$0x3FB9] =	sst s0  }
0x18: {  	s0 =	sld [smem:$0x3F9C];
	_ =	swait.ge [sflag:s4], $0x0  }
0x19: {  	s7 =	sld [smem:$0x3F9D]  }
0x1a: {  	s8 =	sadd.s32 $0xFFFFE003, lr  }
0x1b: {  	s9 =	sadd.s32 $0xFFFFFEF7, lr;
	s5 =	simm.s32 $0xFFFFFFFF;
	p2 =	slt.u32 s8, $0xFFFFF086  }
0x1c: {  	p1 =	slt.u32 s9, $0xF7A;
	s5 =	simm.s32 @!p2 $0x0  }
0x1d: {  	s5 =	simm.s32 @p1 $0x1;
	p0 =	seq.s32 s7, s2  }
0x1e: {  	s7 =	smul.u32 @!p0 $0xF7A, s2;
	p2 =	seq.s32 @!p0 s5, $0x0  }
0x1f: {  	s9 =	smul.u32 $0xF7A, s1;
	s8 =	simm.s32 @!p0 $0x1BF5;
	p2 =	por !p2, p0  }
0x20: {  	[sflag:s8] =	ssyncset.s32 @!p0 $0xFFFFF086;
	s6 =	sadd.s32 @!p0 s3, s7;
	s7 =	simm.s32 @!p0 $0x108  }
0x21: {  	s3 =	sadd.s32 s3, s9;
	s6 =	sadd.s32 @!p0 $0x88, s6;
	s7 =	simm.s32 @p2 $0x1082  }
0x22: {  	[simem:s7], [sflag:s8] =	dma.local @!p0 [hbm:s6], $0xF7A  }
0x23: {  	s9 =	sor.u32 $0xD0000000, s2;
	s6 =	simm.s32 $0x108;
	_ =	swait.ge @!p0 [sflag:s8], $0x0  }
0x24: {  	s3 =	sadd.s32 $0x88, s3;
	s6 =	simm.s32 @!p1 $0x1082;
	[sflag:s4] =	ssyncset.s32 $0xFFFFF086  }
0x25: {  	[simem:s6], [sflag:s4] =	dma.local [hbm:s3], $0xF7A  }
0x26: {  	[smem:$0x3F9D] =	sst s1;
	(tag) =	ssettag s2;
	_ =	strace s9  }
0x27: {  	s1 =	sld [smem:$0x3FAD]  }
0x28: {  	s2 =	sld [smem:$0x3FAE]  }
0x29: {  	s4 =	sld [smem:$0x3FB0]  }
0x2a: {  	p0 =	seq.s32 s5, $0x0;
	s5 =	sld [smem:$0x3FB1]  }
0x2b: {  	s6 =	sld [smem:$0x3FB2]  }
0x2c: {  	s7 =	sld [smem:$0x3FB3]  }
0x2d: {  	s3 =	simm.s32 $0x108;
	s8 =	sld [smem:$0x3FB4]  }
0x2e: {  	s3 =	simm.s32 @!p0 $0x1082;
	s9 =	sld [smem:$0x3FB5]  }
0x2f: {  	lr =	sadd.s32 s0, s3;
	s0 =	sld [smem:$0x3FAC]  }
0x30: {  	s3 =	sld [smem:$0x3FAF]  }
0x31: {  	[smem:$0x3FB8] =	sst s10  }
0x32: {  	s10 =	sld [smem:$0x3FB6];
	_ =	sdelay $0x3  }
0x33: {  	p0 =	seq.s32 s10, $0x1;
	s10 =	sld [smem:$0x3FB8];
	_ =	sdelay $0x3  }
0x34: {  	[smem:$0x3FB8] =	sst s10  }
0x35: {  	s10 =	sld [smem:$0x3FB7];
	_ =	sdelay $0x3  }
0x36: {  	p1 =	seq.s32 s10, $0x1;
	s10 =	sld [smem:$0x3FB8];
	_ =	sdelay $0x3  }
0x37: {  	[smem:$0x3FB8] =	sst s10  }
0x38: {  	s10 =	sld [smem:$0x3FB9]  }
0x39: {  	_ = 	snop;
	(pc) =	sbr.ind lr, $3  }
0x3a: {  	_ = 	snop  }
0x3b: {  	_ = 	snop  }
0x3c: {  	p2 =	seq.s32 s10, $0x1;
	s10 =	sld [smem:$0x3FB8]  }
0x3d: {  	_ =	shalt  }
0x3e: {  	_ =	shalt  }
0x3f: {  	_ =	shalt  }
0x40: {  	_ =	shalt  }
0x41: {  	_ =	shalt  }
0x42: {  	_ =	shalt  }
0x43: {  	_ =	shalt  }
0x44: {  	_ =	shalt  }
0x45: {  	_ =	shalt  }
0x46: {  	_ =	shalt  }
0x47: {  	_ =	shalt  }
0x48: {  	_ =	shalt  }
0x49: {  	_ =	shalt  }
0x4a: {  	_ =	shalt  }
0x4b: {  	_ =	shalt  }
0x4c: {  	_ =	shalt  }
0x4d: {  	_ =	shalt  }
0x4e: {  	_ =	shalt  }
0x4f: {  	_ =	shalt  }
0x50: {  	_ =	shalt  }
0x51: {  	_ =	shalt  }
0x52: {  	_ =	shalt  }
0x53: {  	_ =	shalt  }
0x54: {  	_ =	shalt  }
0x55: {  	_ =	shalt  }
0x56: {  	_ =	shalt  }
0x57: {  	_ =	shalt  }
0x58: {  	_ =	shalt  }
0x59: {  	_ =	shalt  }
0x5a: {  	_ =	shalt  }
0x5b: {  	_ =	shalt  }
0x5c: {  	_ =	shalt  }
0x5d: {  	_ =	shalt  }
0x5e: {  	_ =	shalt  }
0x5f: {  	_ =	shalt  }
0x60: {  	_ =	shalt  }
0x61: {  	_ =	shalt  }
0x62: {  	_ =	shalt  }
0x63: {  	_ =	shalt  }
0x64: {  	_ =	shalt  }
0x65: {  	_ =	shalt  }
0x66: {  	_ =	shalt  }
0x67: {  	_ =	shalt  }
0x68: {  	_ =	shalt  }
0x69: {  	_ =	shalt  }
0x6a: {  	_ =	shalt  }
0x6b: {  	_ =	shalt  }
0x6c: {  	_ =	shalt  }
0x6d: {  	_ =	shalt  }
0x6e: {  	_ =	shalt  }
0x6f: {  	_ =	shalt  }
0x70: {  	_ =	shalt  }
0x71: {  	_ =	shalt  }
0x72: {  	_ =	shalt  }
0x73: {  	_ =	shalt  }
0x74: {  	_ =	shalt  }
0x75: {  	_ =	shalt  }
0x76: {  	_ =	shalt  }
0x77: {  	_ =	shalt  }
0x78: {  	_ =	shalt  }
0x79: {  	_ =	shalt  }
0x7a: {  	_ =	shalt  }
0x7b: {  	_ =	shalt  }
0x7c: {  	_ =	shalt  }
0x7d: {  	_ =	shalt  }
0x7e: {  	_ =	shalt  }
0x7f: {  	_ =	shalt  }
0x80: {  	_ =	shalt  }
0x81: {  	_ =	shalt  }
0x82: {  	_ =	shalt  }
0x83: {  	_ =	shalt  }
0x84: {  	_ =	shalt  }
0x85: {  	_ =	shalt  }
0x86: {  	_ =	shalt  }
0x87: {  	_ =	shalt  }
.Lfunc_end0:
.L_simem_size_0:
called_computation_lowered:
.L_overlay_start_0:
0x88: {  	s2 =	sld [smem:$0x3FD9]  }
0x89: {  	s3 =	sld [smem:$0x3FFE];
	_ =	sdelay $0x1  }
0x8a: {  	s1 =	srdreg.scid  }
0x8b: {  	s0 =	sand.u32 $0x1, s1  }
0x8c: {  	s17 =	sshll.u32 s0, $0xA;
	s2 =	sadd.s32 s3, s2  }
0x8d: {  	s2 =	sadd.s32 s2, s17  }
0x8e: {  	[smem:$0x3FC4] =	sst s2  }
0x8f: {  	_ = 	snop  }
0x90: {  	s2 =	sld [smem:$0x3FC9]  }
0x91: {  	s18 =	sld [smem:$0x3FD0];
	(tm) =	ssettm $0x1  }
0x92: {  	s4 =	sld [smem:$0x3FFB];
	_ =	sdelay $0x3  }
0x93: {  	_ =	strace s4  }
0x94: {  	s4 =	sld [smem:$0x3FFC];
	_ =	sdelay $0x3  }
0x95: {  	_ =	strace s4  }
0x96: {  	s4 =	sld [smem:$0x3FFD];
	_ =	sdelay $0x3  }
0x97: {  	_ =	strace s4  }
0x98: {  	_ =	strace $0x8FFFFFFF  }
0x99: {  	s19 =	sld [smem:$0x3FDB];
	_ =	sdelay $0x1  }
0x9a: {  	s5 =	simm.s32 $_scs_section_size  }
0x9b: {  	s6 =	simm.s32 $_size__tile_overlayer_lowered;
	s7 =	simm.s32 $_tile_overlayer_lowered  }
0x9c: {  	s22 =	simm.s32 $0x1BFF;
	s21 =	sshll.u32 s7, $0x1;
	s4 =	sadd.s32 s5, s19  }
0x9d: {  	s8 =	simm.s32 $0x0;
	s20 =	sshll.u32 s6, $0x1;
	s6 =	sadd.s32 s21, s4  }
0x9e: {  	[timem:s8], [sflag:s22] =	dma.local [hbm:s6], s20  }
0x9f: {  	_ =	swait.ge [sflag:s22], s20  }
0xa0: {  	s5 =	ssub.s32 $0x0, s20;
	[sflag:s22] =	ssyncset.done $0x0  }
0xa1: {  	[sflag:s22] =	ssyncadd.s32 s5;
	_ =	sdelay $0x1  }
0xa2: {  	s23 =	simm.s32 $0x1B8B  }
0xa3: {  	_ =	swait.ge [sflag:s23], $0x1  }
0xa4: {  	[sflag:s23] =	ssyncset.done $0x0  }
0xa5: {  	s25 =	simm.s32 $0x1B8E;
	s24 =	sld [smem:$0x3FFE];
	[sflag:s23] =	ssyncadd.s32 $0xFFFFFFFF  }
0xa6: {  	s26 =	simm.s32 $execute0_lowered;
	[smem:$0x3FD2] =	sst s25  }
0xa7: {  	s6 =	sshll.u32 s26, $0x1;
	_ =	strace $0x80000046;
	[dreg:$0x1] =	wrdreg $0xFFFFFFFF  }
0xa8: {  	s28 =	simm.s32 $_size_execute0_lowered;
	s4 =	sadd.s32 s4, s6;
	[dreg:$0x0] =	wrdreg $0x0  }
0xa9: {  	s6 =	sshll.u32 s28, $0x1;
	[dreg:$0x2] =	wrdreg s4  }
0xaa: {  	[dreg:$0x3] =	wrdreg s6  }
0xab: {  	[dreg:$0x4] =	wrdreg $0xC0  }
0xac: {  	_ =	task [dreg:s8], $0x5FFFF  }
0xad: {  	[dreg:$0x1] =	wrdreg $0xFFFFFFFF  }
0xae: {  	[dreg:$0x0] =	wrdreg $0x60  }
0xaf: {  	[dreg:$0x2] =	wrdreg s2  }
0xb0: {  	[dreg:$0x3] =	wrdreg s18  }
0xb1: {  	[dreg:$0x4] =	wrdreg s24  }
0xb2: {  	[dreg:$0x5] =	wrdreg $0xC1800  }
0xb3: {  	[dreg:$0x6] =	wrdreg $0x9  }
0xb4: {  	_ =	task.clear_ibuf [dreg:s8], $0x7FFFF;
	_ =	strace $0x90000046  }
0xb5: {  	s29 =	simm.s32 $0x9;
	_ =	strace $0x80000048  }
0xb6: {  	_ =	swait.ge [sflag:s29], $0x1  }
0xb7: {  	[sflag:s29] =	ssyncadd.s32 $0xFFFFFFFF  }
0xb8: {  	_ =	strace $0x90000048  }
0xb9: {  	_ =	sfence  }
0xba: {  	s30 =	sld [smem:$0x0];
	_ =	sdelay $0x2  }
0xbb: {  	s31 =	sshll.u32 s1, $0xD;
	s1 =	sshrl.u32 s1, $0x2  }
0xbc: {  	s3 =	sand.u32 $0x4000, s31;
	s1 =	sadd.s32 s1, s30  }
0xbd: {  	s0 =	sor.u32 s3, s0;
	s1 =	sshll.u32 s1, $0x11  }
0xbe: {  	s0 =	sor.u32 s1, s0  }
0xbf: {  	s0 =	sadd.s32 $0x8F2B, s0  }
0xc0: {  	[sflag:s0] =	ssyncadd.remote.s32 $0x1  }
0xc1: {  	_ =	sfence.sel $0xFFFF  }
0xc2: {  	[dreg:$0x0] =	wrdreg $0xFFFFFFFF;
	(pc) =	sbr.abs _section_cstart, $3  }
0xc3: {  	[dreg:$0x1] =	wrdreg $0xFFFFFFFF  }
0xc4: {  	_ =	task.clear_ibuf [dreg:s8], $0x2FFFF;
	_ =	strace $0x9FFFFFFF  }
0xc5: {  	(tm) =	ssettm $0x7FFFFFFF  }
tec
execute0_lowered:
.L_overlay_start_1:
0x0: {  	(tag) =	ssettag $0x1  }
0x1: {  	s1 =	rddreg [dreg:$0x0]  }
0x2: {  	s0 =	rddreg [dreg:$0x1]  }
0x3: {  	s3 =	rddreg [dreg:$0x2]  }
0x4: {  	s2 =	rddreg [dreg:$0x3];
	s4 =	simm.s32 $0x0  }
0x5: {  	s16 =	stileid.u32;
	s8 =	srdreg.scid;
	s28 =	simm.s32 $0x100  }
0x6: {  	s29 =	simm.s32 $0x2;
	s30 =	simm.s32 $0x3;
	s31 =	simm.s32 $0x180  }
0x7: {  	[smem:$0x7FF] =	sst s4;
	s7 =	sadd.s32 $0x1200, s3;
	s6 =	smul.u32 $0x2780, s16  }
0x8: {  	s5 =	sadd.s32 $0xB000, s3;
	s8 =	sand.u32 $0x1, s8;
	s10 =	smul.u32 $0x4F000, s16  }
0x9: {  	s9 =	sadd.s32 $0x33000, s3;
	s11 =	sadd.s32 $0x5A800, s3;
	s14 =	smul.u32 $0x4F00, s16  }
0xa: {  	s19 =	sshll.u32 s16, $0x6;
	_ =	strace $0x80000047;
	[dreg:$0x5] =	wrdreg s9  }
0xb: {  	s26 =	smul.u32 $0x9E0, s16;
	s15 =	ssub.s32 $0x2, s8;
	[dreg:$0x6] =	wrdreg s11  }
0xc: {  	s11 =	sor.u32 $0x1C04, s19;
	p0 =	seq.s32 s8, $0x1;
	s3 =	sadd.s32 s6, s3  }
0xd: {  	s17 =	sshrl.u32 s15, $0x1;
	s18 =	sshrl.u32 s10, $0x2;
	s20 =	sor.u32 $0x80, s14  }
0xe: {  	s21 =	sshrl.u32 s14, $0x3;
	s12 =	ssub.s32 s15, s17;
	s9 =	sadd.s32 s18, s2  }
0xf: {  	s10 =	sadd.s32 $0xB800, s3;
	s3 =	sadd.s32 $0x82000, s3;
	s22 =	sadd.s32 s0, s21  }
0x10: {  	s15 =	sadd.s32 s7, s21;
	s8 =	sshrl.u32 s20, $0x3;
	[dreg:$0x7] =	wrdreg s3  }
0x11: {  	s24 =	sadd.s32 $0x7E0, s21;
	s13 =	smax.u32 s12, $0x1;
	[dreg:$0x8] =	wrdreg s22  }
0x12: {  	s23 =	sadd.s32 s0, s8;
	s17 =	sadd.s32 s7, s8;
	s25 =	sadd.s32 s0, s24  }
.Ltmp0:
0x13: {  	s3 =	sadd.s32 $0x7F0, s21;
	s19 =	sadd.s32 s7, s24;
	(pc) =	sbr.rel .LBB2_1-.Ltmp0, $4  }
0x14: {  	s22 =	sadd.s32 s26, s7;
	s24 =	simm.s32 $0x4;
	[dreg:$0x9] =	wrdreg s23  }
0x15: {  	[dreg:$0xa] =	wrdreg s25;
	s20 =	sadd.s32 s0, s3;
	s21 =	sadd.s32 s7, s3  }
0x16: {  	s23 =	sadd.s32 s26, s0;
	s25 =	simm.s32 $0x8180;
	s26 =	simm.s32 $0x80  }
0x17: {  	s0 =	simm.s32 $0x1;
	s3 =	simm.s32 $0x4180;
	s7 =	simm.s32 $0x0  }
.LBB2_9:
0x18: {  	[spmem:s2] =	stream.indirect.scatter.add.f32 [tilespmem:s3], [sflag:$0x3], $0x80, s28, s26, $0xb8;
	[tilespmem:$0x1FD80] =	vst v63  }
0x19: {  	s12 =	rddreg [dreg:$0x6]  }
.LBB2_10:
0x1a: {  	_ =	swait.ge [sflag:s29], $0x4000  }
0x1b: {  	[sflag:s29] =	ssyncset.done $0x0  }
0x1c: {  	[sflag:s29] =	ssyncadd.s32 $0xFFFFC000  }
0x1d: {  	_ =	swait.ge [sflag:s30], $0x4000  }
0x1e: {  	s7 =	sadd.s32 $0x1, s7;
	[sflag:s30] =	ssyncset.done $0x0  }
0x1f: {  	p1 =	sne.s32 s7, s13;
	[sflag:s30] =	ssyncadd.s32 $0xFFFFC000  }
.Ltmp1:
0x20: {  	s12 =	sadd.s32 s12, s6;
	[bflag:$0x0] =	sbarrier.arrive $0xFFFF;
	(pc) =	sbr.rel @!p1 .LBB2_11-.Ltmp1, $4  }
0x21: {  	[hbm:s12], [sflag:s11] =	dma.local [spmem:s8], $0x2780  }
0x22: {  	_ =	swait.ge [sflag:s24], $0x2780  }
0x23: {  	[sflag:s24] =	ssyncset.done $0x0  }
0x24: {  	[sflag:s24] =	ssyncadd.s32 $0xFFFFD880  }
.LBB2_1:
0x25: {  	s8 =	sshrl.u32 s9, $0x3  }
0x26: {  	[spmem:s8], [sflag:s11] =	dma.local [hbm:s10], $0x2780  }
0x27: {  	_ =	swait.ge [sflag:s24], $0x2780  }
0x28: {  	[sflag:s24] =	ssyncset.done $0x0  }
0x29: {  	[sflag:s24] =	ssyncadd.s32 $0xFFFFD880  }
0x2a: {  	[tilespmem:s25], [sflag:$0x4] =	stream.linear.gather [hbm4b:s5+s4], $0x4000, $0x38;
	[tilespmem:$0x1FD80] =	vst v63  }
.Ltmp2:
0x2b: {  	_ =	swait.ge [sflag:s24], $0x4000;
	(pc) =	sbr.rel @!p0 .LBB2_2-.Ltmp2, $3  }
0x2c: {  	[sflag:s24] =	ssyncset.done $0x0  }
0x2d: {  	[sflag:s24] =	ssyncadd.s32 $0xFFFFC000  }
0x2e: {  	[bflag:$0x0] =	sbarrier.arrive $0xFFFF;
	_ =	sdelay $0x1  }
0x2f: {  	[tilespmem:s26], [sflag:$0x4] =	stream.linear.gather [hbm4b:s15+s4], $0x80, $0x38;
	[tilespmem:$0x1FD80] =	vst v63  }
0x30: {  	_ =	swait.ge [sflag:s24], $0x80  }
0x31: {  	[sflag:s24] =	ssyncset.done $0x0  }
0x32: {  	[sflag:s24] =	ssyncadd.s32 $0xFFFFFF80  }
0x33: {  	[spmem:s2] =	stream.indirect.scatter.add.f32 [tilespmem:s25], [sflag:$0x2], $0x80, s26, s26, $0xb8;
	[tilespmem:$0x1FD80] =	vst v63  }
0x34: {  	_ = 	snop  }
0x35: {  	[tilespmem:s28], [sflag:$0x4] =	stream.linear.gather [hbm4b:s17+s4], $0x80, $0x38;
	[tilespmem:$0x1FD80] =	vst v63  }
0x36: {  	_ =	swait.ge [sflag:s24], $0x80  }
0x37: {  	[sflag:s24] =	ssyncset.done $0x0  }
0x38: {  	[sflag:s24] =	ssyncadd.s32 $0xFFFFFF80  }
0x39: {  	[spmem:s2] =	stream.indirect.scatter.add.f32 [tilespmem:s25], [sflag:$0x3], $0x80, s28, s26, $0xb8;
	[tilespmem:$0x1FD80] =	vst v63  }
0x3a: {  	_ =	swait.ge [sflag:s29], $0x4000  }
0x3b: {  	s12 =	sadd.s32 $0xFFFFF640, s22;
	[sflag:s29] =	ssyncset.done $0x0  }
0x3c: {  	s14 =	sadd.s32 $0x9E0, s12;
	[sflag:s29] =	ssyncadd.s32 $0xFFFFC000  }
0x3d: {  	[tilespmem:s26], [sflag:$0x4] =	stream.linear.gather [hbm4b:s14+s4], $0x80, $0x38;
	[tilespmem:$0x1FD80] =	vst v63  }
0x3e: {  	_ =	swait.ge [sflag:s24], $0x80  }
0x3f: {  	[sflag:s24] =	ssyncset.done $0x0  }
0x40: {  	[sflag:s24] =	ssyncadd.s32 $0xFFFFFF80  }
0x41: {  	[spmem:s2] =	stream.indirect.scatter.add.f32 [tilespmem:s25], [sflag:$0x2], $0x80, s26, s26, $0xb8;
	[tilespmem:$0x1FD80] =	vst v63  }
0x42: {  	_ =	swait.ge [sflag:s30], $0x4000  }
0x43: {  	[sflag:s30] =	ssyncset.done $0x0  }
0x44: {  	s12 =	sadd.s32 $0x9F0, s12;
	[sflag:s30] =	ssyncadd.s32 $0xFFFFC000  }
0x45: {  	[tilespmem:s28], [sflag:$0x4] =	stream.linear.gather [hbm4b:s12+s4], $0x80, $0x38;
	[tilespmem:$0x1FD80] =	vst v63  }
0x46: {  	_ =	swait.ge [sflag:s24], $0x80  }
0x47: {  	[sflag:s24] =	ssyncset.done $0x0  }
0x48: {  	s12 =	simm.s32 $0xFFFFF660;
	[sflag:s24] =	ssyncadd.s32 $0xFFFFFF80  }
.LBB2_6:
0x49: {  	[spmem:s2] =	stream.indirect.scatter.add.f32 [tilespmem:s25], [sflag:$0x3], $0x80, s28, s26, $0xb8;
	[tilespmem:$0x1FD80] =	vst v63  }
0x4a: {  	s14 =	smov.u32 s12  }
0x4b: {  	p1 =	sne.s32 s12, $0xFFFFFFE0;
	s12 =	sadd.s32 $0x20, s12;
	_ =	swait.ge [sflag:s29], $0x4000  }
0x4c: {  	s14 =	sadd.s32 s14, s22;
	[sflag:s29] =	ssyncset.done $0x0  }
0x4d: {  	s16 =	sadd.s32 $0x9E0, s14;
	[sflag:s29] =	ssyncadd.s32 $0xFFFFC000  }
0x4e: {  	[tilespmem:s26], [sflag:$0x4] =	stream.linear.gather [hbm4b:s16+s4], $0x80, $0x38;
	[tilespmem:$0x1FD80] =	vst v63  }
0x4f: {  	_ =	swait.ge [sflag:s24], $0x80  }
0x50: {  	[sflag:s24] =	ssyncset.done $0x0  }
0x51: {  	[sflag:s24] =	ssyncadd.s32 $0xFFFFFF80  }
0x52: {  	[spmem:s2] =	stream.indirect.scatter.add.f32 [tilespmem:s25], [sflag:$0x2], $0x80, s26, s26, $0xb8;
	[tilespmem:$0x1FD80] =	vst v63  }
0x53: {  	_ =	swait.ge [sflag:s30], $0x4000  }
0x54: {  	[sflag:s30] =	ssyncset.done $0x0  }
.Ltmp3:
0x55: {  	s14 =	sadd.s32 $0x9F0, s14;
	[sflag:s30] =	ssyncadd.s32 $0xFFFFC000;
	(pc) =	sbr.rel @p1 .LBB2_6-.Ltmp3, $4  }
0x56: {  	[tilespmem:s28], [sflag:$0x4] =	stream.linear.gather [hbm4b:s14+s4], $0x80, $0x38;
	[tilespmem:$0x1FD80] =	vst v63  }
0x57: {  	_ =	swait.ge [sflag:s24], $0x80  }
0x58: {  	[sflag:s24] =	ssyncset.done $0x0  }
0x59: {  	[sflag:s24] =	ssyncadd.s32 $0xFFFFFF80  }
0x5a: {  	[spmem:s2] =	stream.indirect.scatter.add.f32 [tilespmem:s25], [sflag:$0x3], $0x80, s28, s26, $0xb8;
	[tilespmem:$0x1FD80] =	vst v63  }
0x5b: {  	_ =	swait.ge [sflag:s29], $0x4000  }
0x5c: {  	[sflag:s29] =	ssyncset.done $0x0  }
0x5d: {  	[sflag:s29] =	ssyncadd.s32 $0xFFFFC000  }
0x5e: {  	_ =	swait.ge [sflag:s30], $0x4000  }
0x5f: {  	[sflag:s30] =	ssyncset.done $0x0  }
0x60: {  	[sflag:s30] =	ssyncadd.s32 $0xFFFFC000  }
0x61: {  	[bflag:$0x0] =	sbarrier.arrive $0xFFFF  }
0x62: {  	s12 =	rddreg [dreg:$0x7]  }
0x63: {  	[hbm:s12], [sflag:s11] =	dma.local [spmem:s8], $0x2780  }
0x64: {  	_ =	swait.ge [sflag:s24], $0x2780  }
0x65: {  	[sflag:s24] =	ssyncset.done $0x0  }
0x66: {  	[sflag:s24] =	ssyncadd.s32 $0xFFFFD880  }
0x67: {  	[bflag:$0x0] =	sbarrier.arrive $0xFFFF  }
0x68: {  	[spmem:s8], [sflag:s11] =	dma.local [hbm:s10], $0x2780  }
0x69: {  	_ =	swait.ge [sflag:s24], $0x2780  }
0x6a: {  	[sflag:s24] =	ssyncset.done $0x0  }
0x6b: {  	[sflag:s24] =	ssyncadd.s32 $0xFFFFD880  }
0x6c: {  	[bflag:$0x0] =	sbarrier.arrive $0xFFFF  }
0x6d: {  	s16 =	rddreg [dreg:$0xa]  }
0x6e: {  	[tilespmem:s4], [sflag:$0x4] =	stream.linear.gather [hbm4b:s16+s4], $0x80, $0x38;
	[tilespmem:$0x1FD80] =	vst v63  }
0x6f: {  	_ =	swait.ge [sflag:s24], $0x80  }
0x70: {  	[sflag:s24] =	ssyncset.done $0x0  }
0x71: {  	[sflag:s24] =	ssyncadd.s32 $0xFFFFFF80  }
0x72: {  	[tilespmem:s26], [sflag:$0x4] =	stream.linear.gather [hbm4b:s19+s4], $0x80, $0x38;
	[tilespmem:$0x1FD80] =	vst v63  }
0x73: {  	_ =	swait.ge [sflag:s24], $0x80  }
0x74: {  	[sflag:s24] =	ssyncset.done $0x0  }
0x75: {  	[sflag:s24] =	ssyncadd.s32 $0xFFFFFF80  }
0x76: {  	[tilespmem:s31], [sflag:$0x1] =	stream.indirect.gather [hbm4b:s1+s26], $0x80, s4, s26, $0xb8;
	[tilespmem:$0x1FD80] =	vst v63  }
0x77: {  	_ =	swait.ge [sflag:s0], $0x4000  }
0x78: {  	[sflag:s0] =	ssyncset.done $0x0  }
0x79: {  	[sflag:s0] =	ssyncadd.s32 $0xFFFFC000  }
0x7a: {  	[spmem:s2] =	stream.indirect.scatter.add.f32 [tilespmem:s31], [sflag:$0x2], $0x80, s26, s26, $0xb8;
	[tilespmem:$0x1FD80] =	vst v63  }
0x7b: {  	_ = 	snop  }
0x7c: {  	[tilespmem:s4], [sflag:$0x4] =	stream.linear.gather [hbm4b:s20+s4], $0x80, $0x38;
	[tilespmem:$0x1FD80] =	vst v63  }
0x7d: {  	_ =	swait.ge [sflag:s24], $0x80  }
0x7e: {  	[sflag:s24] =	ssyncset.done $0x0  }
0x7f: {  	[sflag:s24] =	ssyncadd.s32 $0xFFFFFF80  }
0x80: {  	[tilespmem:s28], [sflag:$0x4] =	stream.linear.gather [hbm4b:s21+s4], $0x80, $0x38;
	[tilespmem:$0x1FD80] =	vst v63  }
0x81: {  	_ =	swait.ge [sflag:s24], $0x80  }
0x82: {  	[sflag:s24] =	ssyncset.done $0x0  }
0x83: {  	[sflag:s24] =	ssyncadd.s32 $0xFFFFFF80  }
0x84: {  	[tilespmem:s3], [sflag:$0x1] =	stream.indirect.gather [hbm4b:s1+s26], $0x80, s4, s26, $0xb8;
	[tilespmem:$0x1FD80] =	vst v63  }
0x85: {  	_ =	swait.ge [sflag:s0], $0x4000  }
0x86: {  	[sflag:s0] =	ssyncset.done $0x0  }
0x87: {  	[sflag:s0] =	ssyncadd.s32 $0xFFFFC000  }
0x88: {  	[spmem:s2] =	stream.indirect.scatter.add.f32 [tilespmem:s3], [sflag:$0x3], $0x80, s28, s26, $0xb8;
	[tilespmem:$0x1FD80] =	vst v63  }
0x89: {  	_ =	swait.ge [sflag:s29], $0x4000  }
0x8a: {  	s12 =	sadd.s32 $0xFFFFFE20, s23;
	[sflag:s29] =	ssyncset.done $0x0  }
0x8b: {  	s14 =	sadd.s32 $0x9E0, s12;
	[sflag:s29] =	ssyncadd.s32 $0xFFFFC000  }
0x8c: {  	[tilespmem:s4], [sflag:$0x4] =	stream.linear.gather [hbm4b:s14+s4], $0x80, $0x38;
	[tilespmem:$0x1FD80] =	vst v63  }
0x8d: {  	_ =	swait.ge [sflag:s24], $0x80  }
0x8e: {  	s18 =	sadd.s32 $0xFFFFFE20, s22;
	[sflag:s24] =	ssyncset.done $0x0  }
0x8f: {  	s16 =	sadd.s32 $0x9E0, s18;
	[sflag:s24] =	ssyncadd.s32 $0xFFFFFF80  }
0x90: {  	[tilespmem:s26], [sflag:$0x4] =	stream.linear.gather [hbm4b:s16+s4], $0x80, $0x38;
	[tilespmem:$0x1FD80] =	vst v63  }
0x91: {  	_ =	swait.ge [sflag:s24], $0x80  }
0x92: {  	[sflag:s24] =	ssyncset.done $0x0  }
0x93: {  	[sflag:s24] =	ssyncadd.s32 $0xFFFFFF80  }
0x94: {  	[tilespmem:s31], [sflag:$0x1] =	stream.indirect.gather [hbm4b:s1+s26], $0x80, s4, s26, $0xb8;
	[tilespmem:$0x1FD80] =	vst v63  }
0x95: {  	_ =	swait.ge [sflag:s0], $0x4000  }
0x96: {  	[sflag:s0] =	ssyncset.done $0x0  }
0x97: {  	[sflag:s0] =	ssyncadd.s32 $0xFFFFC000  }
0x98: {  	[spmem:s2] =	stream.indirect.scatter.add.f32 [tilespmem:s31], [sflag:$0x2], $0x80, s26, s26, $0xb8;
	[tilespmem:$0x1FD80] =	vst v63  }
0x99: {  	_ =	swait.ge [sflag:s30], $0x4000  }
0x9a: {  	[sflag:s30] =	ssyncset.done $0x0  }
0x9b: {  	s12 =	sadd.s32 $0x9F0, s12;
	[sflag:s30] =	ssyncadd.s32 $0xFFFFC000  }
0x9c: {  	[tilespmem:s4], [sflag:$0x4] =	stream.linear.gather [hbm4b:s12+s4], $0x80, $0x38;
	[tilespmem:$0x1FD80] =	vst v63  }
0x9d: {  	_ =	swait.ge [sflag:s24], $0x80  }
0x9e: {  	[sflag:s24] =	ssyncset.done $0x0  }
0x9f: {  	s18 =	sadd.s32 $0x9F0, s18;
	[sflag:s24] =	ssyncadd.s32 $0xFFFFFF80  }
0xa0: {  	[tilespmem:s28], [sflag:$0x4] =	stream.linear.gather [hbm4b:s18+s4], $0x80, $0x38;
	[tilespmem:$0x1FD80] =	vst v63  }
0xa1: {  	_ =	swait.ge [sflag:s24], $0x80  }
0xa2: {  	[sflag:s24] =	ssyncset.done $0x0  }
0xa3: {  	[sflag:s24] =	ssyncadd.s32 $0xFFFFFF80  }
0xa4: {  	[tilespmem:s3], [sflag:$0x1] =	stream.indirect.gather [hbm4b:s1+s26], $0x80, s4, s26, $0xb8;
	[tilespmem:$0x1FD80] =	vst v63  }
0xa5: {  	_ =	swait.ge [sflag:s0], $0x4000  }
0xa6: {  	[sflag:s0] =	ssyncset.done $0x0  }
0xa7: {  	s12 =	simm.s32 $0xFFFFFE40;
	[sflag:s0] =	ssyncadd.s32 $0xFFFFC000  }
.LBB2_8:
0xa8: {  	[spmem:s2] =	stream.indirect.scatter.add.f32 [tilespmem:s3], [sflag:$0x3], $0x80, s28, s26, $0xb8;
	[tilespmem:$0x1FD80] =	vst v63  }
0xa9: {  	s14 =	smov.u32 s12  }
0xaa: {  	p1 =	sne.s32 s12, $0xFFFFFFE0;
	s12 =	sadd.s32 $0x20, s12;
	_ =	swait.ge [sflag:s29], $0x4000  }
0xab: {  	s16 =	sadd.s32 s14, s23;
	[sflag:s29] =	ssyncset.done $0x0  }
0xac: {  	s18 =	sadd.s32 $0x9E0, s16;
	[sflag:s29] =	ssyncadd.s32 $0xFFFFC000  }
0xad: {  	[tilespmem:s4], [sflag:$0x4] =	stream.linear.gather [hbm4b:s18+s4], $0x80, $0x38;
	[tilespmem:$0x1FD80] =	vst v63  }
0xae: {  	_ =	swait.ge [sflag:s24], $0x80  }
0xaf: {  	s14 =	sadd.s32 s14, s22;
	[sflag:s24] =	ssyncset.done $0x0  }
0xb0: {  	s18 =	sadd.s32 $0x9E0, s14;
	[sflag:s24] =	ssyncadd.s32 $0xFFFFFF80  }
0xb1: {  	[tilespmem:s26], [sflag:$0x4] =	stream.linear.gather [hbm4b:s18+s4], $0x80, $0x38;
	[tilespmem:$0x1FD80] =	vst v63  }
0xb2: {  	_ =	swait.ge [sflag:s24], $0x80  }
0xb3: {  	[sflag:s24] =	ssyncset.done $0x0  }
0xb4: {  	[sflag:s24] =	ssyncadd.s32 $0xFFFFFF80  }
0xb5: {  	[tilespmem:s31], [sflag:$0x1] =	stream.indirect.gather [hbm4b:s1+s26], $0x80, s4, s26, $0xb8;
	[tilespmem:$0x1FD80] =	vst v63  }
0xb6: {  	_ =	swait.ge [sflag:s0], $0x4000  }
0xb7: {  	[sflag:s0] =	ssyncset.done $0x0  }
0xb8: {  	[sflag:s0] =	ssyncadd.s32 $0xFFFFC000  }
0xb9: {  	[spmem:s2] =	stream.indirect.scatter.add.f32 [tilespmem:s31], [sflag:$0x2], $0x80, s26, s26, $0xb8;
	[tilespmem:$0x1FD80] =	vst v63  }
0xba: {  	_ =	swait.ge [sflag:s30], $0x4000  }
0xbb: {  	[sflag:s30] =	ssyncset.done $0x0  }
0xbc: {  	s16 =	sadd.s32 $0x9F0, s16;
	[sflag:s30] =	ssyncadd.s32 $0xFFFFC000  }
0xbd: {  	[tilespmem:s4], [sflag:$0x4] =	stream.linear.gather [hbm4b:s16+s4], $0x80, $0x38;
	[tilespmem:$0x1FD80] =	vst v63  }
0xbe: {  	_ =	swait.ge [sflag:s24], $0x80  }
0xbf: {  	[sflag:s24] =	ssyncset.done $0x0  }
0xc0: {  	s14 =	sadd.s32 $0x9F0, s14;
	[sflag:s24] =	ssyncadd.s32 $0xFFFFFF80  }
0xc1: {  	[tilespmem:s28], [sflag:$0x4] =	stream.linear.gather [hbm4b:s14+s4], $0x80, $0x38;
	[tilespmem:$0x1FD80] =	vst v63  }
0xc2: {  	_ =	swait.ge [sflag:s24], $0x80  }
0xc3: {  	[sflag:s24] =	ssyncset.done $0x0  }
.Ltmp4:
0xc4: {  	[sflag:s24] =	ssyncadd.s32 $0xFFFFFF80;
	(pc) =	sbr.rel @p1 .LBB2_8-.Ltmp4, $4  }
0xc5: {  	[tilespmem:s3], [sflag:$0x1] =	stream.indirect.gather [hbm4b:s1+s26], $0x80, s4, s26, $0xb8;
	[tilespmem:$0x1FD80] =	vst v63  }
0xc6: {  	_ =	swait.ge [sflag:s0], $0x4000  }
0xc7: {  	[sflag:s0] =	ssyncset.done $0x0  }
0xc8: {  	[sflag:s0] =	ssyncadd.s32 $0xFFFFC000  }
.Ltmp5:
0xc9: {  	_ = 	snop;
	(pc) =	sbr.rel .LBB2_9-.Ltmp5, $1  }
0xca: {  	_ =	sdelay $0x3  }
.LBB2_2:
0xcb: {  	s12 =	rddreg [dreg:$0x8]  }
0xcc: {  	[tilespmem:s4], [sflag:$0x4] =	stream.linear.gather [hbm4b:s12+s4], $0x80, $0x38;
	[tilespmem:$0x1FD80] =	vst v63  }
0xcd: {  	_ =	swait.ge [sflag:s24], $0x80  }
0xce: {  	[sflag:s24] =	ssyncset.done $0x0  }
0xcf: {  	[sflag:s24] =	ssyncadd.s32 $0xFFFFFF80  }
0xd0: {  	[tilespmem:s26], [sflag:$0x4] =	stream.linear.gather [hbm4b:s15+s4], $0x80, $0x38;
	[tilespmem:$0x1FD80] =	vst v63  }
0xd1: {  	_ =	swait.ge [sflag:s24], $0x80  }
0xd2: {  	[sflag:s24] =	ssyncset.done $0x0  }
0xd3: {  	[sflag:s24] =	ssyncadd.s32 $0xFFFFFF80  }
0xd4: {  	[tilespmem:s31], [sflag:$0x1] =	stream.indirect.gather [hbm4b:s1+s26], $0x80, s4, s26, $0xb8;
	[tilespmem:$0x1FD80] =	vst v63  }
0xd5: {  	_ =	swait.ge [sflag:s0], $0x4000  }
0xd6: {  	[sflag:s0] =	ssyncset.done $0x0  }
0xd7: {  	[sflag:s0] =	ssyncadd.s32 $0xFFFFC000  }
0xd8: {  	[spmem:s2] =	stream.indirect.scatter.add.f32 [tilespmem:s31], [sflag:$0x2], $0x80, s26, s26, $0xb8;
	[tilespmem:$0x1FD80] =	vst v63  }
0xd9: {  	s16 =	rddreg [dreg:$0x9]  }
0xda: {  	[tilespmem:s4], [sflag:$0x4] =	stream.linear.gather [hbm4b:s16+s4], $0x80, $0x38;
	[tilespmem:$0x1FD80] =	vst v63  }
0xdb: {  	_ =	swait.ge [sflag:s24], $0x80  }
0xdc: {  	[sflag:s24] =	ssyncset.done $0x0  }
0xdd: {  	[sflag:s24] =	ssyncadd.s32 $0xFFFFFF80  }
0xde: {  	[tilespmem:s28], [sflag:$0x4] =	stream.linear.gather [hbm4b:s17+s4], $0x80, $0x38;
	[tilespmem:$0x1FD80] =	vst v63  }
0xdf: {  	_ =	swait.ge [sflag:s24], $0x80  }
0xe0: {  	[sflag:s24] =	ssyncset.done $0x0  }
0xe1: {  	[sflag:s24] =	ssyncadd.s32 $0xFFFFFF80  }
0xe2: {  	[tilespmem:s3], [sflag:$0x1] =	stream.indirect.gather [hbm4b:s1+s26], $0x80, s4, s26, $0xb8;
	[tilespmem:$0x1FD80] =	vst v63  }
0xe3: {  	_ =	swait.ge [sflag:s0], $0x4000  }
0xe4: {  	[sflag:s0] =	ssyncset.done $0x0  }
0xe5: {  	[sflag:s0] =	ssyncadd.s32 $0xFFFFC000  }
0xe6: {  	[spmem:s2] =	stream.indirect.scatter.add.f32 [tilespmem:s3], [sflag:$0x3], $0x80, s28, s26, $0xb8;
	[tilespmem:$0x1FD80] =	vst v63  }
0xe7: {  	_ =	swait.ge [sflag:s29], $0x4000  }
0xe8: {  	s12 =	sadd.s32 $0xFFFFF840, s23;
	[sflag:s29] =	ssyncset.done $0x0  }
0xe9: {  	s14 =	sadd.s32 $0x7E0, s12;
	[sflag:s29] =	ssyncadd.s32 $0xFFFFC000  }
0xea: {  	[tilespmem:s4], [sflag:$0x4] =	stream.linear.gather [hbm4b:s14+s4], $0x80, $0x38;
	[tilespmem:$0x1FD80] =	vst v63  }
0xeb: {  	_ =	swait.ge [sflag:s24], $0x80  }
0xec: {  	s18 =	sadd.s32 $0xFFFFF840, s22;
	[sflag:s24] =	ssyncset.done $0x0  }
0xed: {  	s16 =	sadd.s32 $0x7E0, s18;
	[sflag:s24] =	ssyncadd.s32 $0xFFFFFF80  }
0xee: {  	[tilespmem:s26], [sflag:$0x4] =	stream.linear.gather [hbm4b:s16+s4], $0x80, $0x38;
	[tilespmem:$0x1FD80] =	vst v63  }
0xef: {  	_ =	swait.ge [sflag:s24], $0x80  }
0xf0: {  	[sflag:s24] =	ssyncset.done $0x0  }
0xf1: {  	[sflag:s24] =	ssyncadd.s32 $0xFFFFFF80  }
0xf2: {  	[tilespmem:s31], [sflag:$0x1] =	stream.indirect.gather [hbm4b:s1+s26], $0x80, s4, s26, $0xb8;
	[tilespmem:$0x1FD80] =	vst v63  }
0xf3: {  	_ =	swait.ge [sflag:s0], $0x4000  }
0xf4: {  	[sflag:s0] =	ssyncset.done $0x0  }
0xf5: {  	[sflag:s0] =	ssyncadd.s32 $0xFFFFC000  }
0xf6: {  	[spmem:s2] =	stream.indirect.scatter.add.f32 [tilespmem:s31], [sflag:$0x2], $0x80, s26, s26, $0xb8;
	[tilespmem:$0x1FD80] =	vst v63  }
0xf7: {  	_ =	swait.ge [sflag:s30], $0x4000  }
0xf8: {  	[sflag:s30] =	ssyncset.done $0x0  }
0xf9: {  	s12 =	sadd.s32 $0x7F0, s12;
	[sflag:s30] =	ssyncadd.s32 $0xFFFFC000  }
0xfa: {  	[tilespmem:s4], [sflag:$0x4] =	stream.linear.gather [hbm4b:s12+s4], $0x80, $0x38;
	[tilespmem:$0x1FD80] =	vst v63  }
0xfb: {  	_ =	swait.ge [sflag:s24], $0x80  }
0xfc: {  	[sflag:s24] =	ssyncset.done $0x0  }
0xfd: {  	s18 =	sadd.s32 $0x7F0, s18;
	[sflag:s24] =	ssyncadd.s32 $0xFFFFFF80  }
0xfe: {  	[tilespmem:s28], [sflag:$0x4] =	stream.linear.gather [hbm4b:s18+s4], $0x80, $0x38;
	[tilespmem:$0x1FD80] =	vst v63  }
0xff: {  	_ =	swait.ge [sflag:s24], $0x80  }
0x100: {  	[sflag:s24] =	ssyncset.done $0x0  }
0x101: {  	[sflag:s24] =	ssyncadd.s32 $0xFFFFFF80  }
0x102: {  	[tilespmem:s3], [sflag:$0x1] =	stream.indirect.gather [hbm4b:s1+s26], $0x80, s4, s26, $0xb8;
	[tilespmem:$0x1FD80] =	vst v63  }
0x103: {  	_ =	swait.ge [sflag:s0], $0x4000  }
0x104: {  	[sflag:s0] =	ssyncset.done $0x0  }
0x105: {  	s12 =	simm.s32 $0xFFFFF860;
	[sflag:s0] =	ssyncadd.s32 $0xFFFFC000  }
.LBB2_3:
0x106: {  	[spmem:s2] =	stream.indirect.scatter.add.f32 [tilespmem:s3], [sflag:$0x3], $0x80, s28, s26, $0xb8;
	[tilespmem:$0x1FD80] =	vst v63  }
0x107: {  	s14 =	smov.u32 s12  }
0x108: {  	p1 =	seq.s32 s12, $0xFFFFFFE0;
	s12 =	sadd.s32 $0x20, s12;
	_ =	swait.ge [sflag:s29], $0x4000  }
0x109: {  	s16 =	sadd.s32 s14, s23;
	[sflag:s29] =	ssyncset.done $0x0  }
0x10a: {  	s18 =	sadd.s32 $0x7E0, s16;
	[sflag:s29] =	ssyncadd.s32 $0xFFFFC000  }
0x10b: {  	[tilespmem:s4], [sflag:$0x4] =	stream.linear.gather [hbm4b:s18+s4], $0x80, $0x38;
	[tilespmem:$0x1FD80] =	vst v63  }
0x10c: {  	_ =	swait.ge [sflag:s24], $0x80  }
0x10d: {  	s14 =	sadd.s32 s14, s22;
	[sflag:s24] =	ssyncset.done $0x0  }
0x10e: {  	s18 =	sadd.s32 $0x7E0, s14;
	[sflag:s24] =	ssyncadd.s32 $0xFFFFFF80  }
0x10f: {  	[tilespmem:s26], [sflag:$0x4] =	stream.linear.gather [hbm4b:s18+s4], $0x80, $0x38;
	[tilespmem:$0x1FD80] =	vst v63  }
0x110: {  	_ =	swait.ge [sflag:s24], $0x80  }
0x111: {  	[sflag:s24] =	ssyncset.done $0x0  }
0x112: {  	[sflag:s24] =	ssyncadd.s32 $0xFFFFFF80  }
0x113: {  	[tilespmem:s31], [sflag:$0x1] =	stream.indirect.gather [hbm4b:s1+s26], $0x80, s4, s26, $0xb8;
	[tilespmem:$0x1FD80] =	vst v63  }
0x114: {  	_ =	swait.ge [sflag:s0], $0x4000  }
0x115: {  	[sflag:s0] =	ssyncset.done $0x0  }
0x116: {  	[sflag:s0] =	ssyncadd.s32 $0xFFFFC000  }
0x117: {  	[spmem:s2] =	stream.indirect.scatter.add.f32 [tilespmem:s31], [sflag:$0x2], $0x80, s26, s26, $0xb8;
	[tilespmem:$0x1FD80] =	vst v63  }
0x118: {  	_ =	swait.ge [sflag:s30], $0x4000  }
0x119: {  	[sflag:s30] =	ssyncset.done $0x0  }
0x11a: {  	s16 =	sadd.s32 $0x7F0, s16;
	[sflag:s30] =	ssyncadd.s32 $0xFFFFC000  }
0x11b: {  	[tilespmem:s4], [sflag:$0x4] =	stream.linear.gather [hbm4b:s16+s4], $0x80, $0x38;
	[tilespmem:$0x1FD80] =	vst v63  }
0x11c: {  	_ =	swait.ge [sflag:s24], $0x80  }
0x11d: {  	[sflag:s24] =	ssyncset.done $0x0  }
0x11e: {  	s14 =	sadd.s32 $0x7F0, s14;
	[sflag:s24] =	ssyncadd.s32 $0xFFFFFF80  }
0x11f: {  	[tilespmem:s28], [sflag:$0x4] =	stream.linear.gather [hbm4b:s14+s4], $0x80, $0x38;
	[tilespmem:$0x1FD80] =	vst v63  }
0x120: {  	_ =	swait.ge [sflag:s24], $0x80  }
0x121: {  	[sflag:s24] =	ssyncset.done $0x0  }
.Ltmp6:
0x122: {  	[sflag:s24] =	ssyncadd.s32 $0xFFFFFF80;
	(pc) =	sbr.rel @!p1 .LBB2_3-.Ltmp6, $4  }
0x123: {  	[tilespmem:s3], [sflag:$0x1] =	stream.indirect.gather [hbm4b:s1+s26], $0x80, s4, s26, $0xb8;
	[tilespmem:$0x1FD80] =	vst v63  }
0x124: {  	_ =	swait.ge [sflag:s0], $0x4000  }
0x125: {  	[sflag:s0] =	ssyncset.done $0x0  }
0x126: {  	[sflag:s0] =	ssyncadd.s32 $0xFFFFC000  }
.Ltmp7:
0x127: {  	(pc) =	sbr.rel .LBB2_10-.Ltmp7, $3  }
0x128: {  	_ =	sdelay $0x1  }
0x129: {  	[spmem:s2] =	stream.indirect.scatter.add.f32 [tilespmem:s3], [sflag:$0x3], $0x80, s28, s26, $0xb8;
	[tilespmem:$0x1FD80] =	vst v63  }
0x12a: {  	s12 =	rddreg [dreg:$0x5]  }
.LBB2_11:
0x12b: {  	_ =	sfence.sel $0x180000  }
0x12c: {  	[bflag:$0x0] =	sbarrier.arrive $0xFFFF  }
0x12d: {  	_ =	strace $0x90000047  }
0x12e: {  	s0 =	stileid.u32;
	[bflag:$0x2] =	sbarrier.arrive $0xFFFF  }
0x12f: {  	p0 =	sne.s32 s0, $0x0;
	s0 =	rddreg [dreg:$0x4]  }
0x130: {  	s0 =	sadd.s32 @!p0 $0x100000, s0  }
0x131: {  	[sflag:s0] =	ssyncadd.tile.s32 @!p0 $0x1;
	_ =	shalt  }
.Lfunc_end2:
_tile_overlayer_lowered:
.L_overlay_start_2:
0x132: {  	(tag) =	ssettag $0x2  }
0x133: {  	s0 =	rddreg [dreg:$0x0];
	s2 =	stileid.u32  }
0x134: {  	s1 =	rddreg [dreg:$0x1];
	p0 =	sne.s32 s2, $0x0  }
0x135: {  	s3 =	rddreg [dreg:$0x2];
	[bflag:$0x3] =	sbarrier.arrive $0xFFFF;
	s2 =	simm.s32 @!p0 $0x1C04  }
0x136: {  	[timem:s3], [sflag:s2] =	dma.local @!p0 [hbm:s0], s1  }
0x137: {  	s0 =	simm.s32 @!p0 $0x4  }
0x138: {  	_ =	swait.ge @!p0 [sflag:s0], s1  }
0x139: {  	s1 =	ssub.s32 @!p0 $0x0, s1;
	[sflag:s0] =	ssyncset.done @!p0 $0x0  }
0x13a: {  	[sflag:s0] =	ssyncadd.s32 @!p0 s1  }
0x13b: {  	[bflag:$0x3] =	sbarrier.arrive $0xFFFF  }
0x13c: {  	_ =	shalt  }

</sc_bundles>
